<compile_context>
chip_gen: v7x
topology: tpu7x:2x2x1
jax: 0.10.2.dev20260603
libtpu: 0.0.44.dev20260713+nightly
codegen_flags: <defaults>
</compile_context>

<pallas_src>
import functools

import jax
import jax.numpy as jnp
from jax import lax
from jax.experimental import pallas as pl
from jax.experimental.pallas import tpu as pltpu
from jax.experimental.pallas import tpu_sc as plsc

N = 10000
NP = 10240
E = 320000
D1 = 128
D2 = 64
NC = 2
NS = 16
EPC = E // NC
EPT = EPC // NS
K = 80
CHUNKS = EPT // K
RPT = NP // NS

_MESH = plsc.VectorSubcoreMesh(core_axis_name="c", subcore_axis_name="s")


def _zero_vec_f32(ref, n):
    def body(i, carry):
        ref[pl.ds(i * 16, 16)] = jnp.zeros((16,), jnp.float32)
        return carry
    lax.fori_loop(0, n // 16, body, 0)



@functools.partial(
    pl.kernel,
    mesh=_MESH,
    out_type=jax.ShapeDtypeStruct((NC, 2, NP), jnp.float32),
    scratch_types=[
        pltpu.VMEM((K,), jnp.int32),
        pltpu.VMEM((K,), jnp.float32),
        pltpu.VMEM((RPT,), jnp.float32),
        pltpu.VMEM_SHARED((NP,), jnp.float32),
        pltpu.VMEM_SHARED((NP,), jnp.float32),
    ],
)
def _sc_degrees(src_hbm, dst_hbm, out_hbm, idx_v, ones_v, zeros_v, dego, degi):
    c = lax.axis_index("c")
    s = lax.axis_index("s")

    def fill_ones(i, carry):
        ones_v[pl.ds(i * 16, 16)] = jnp.ones((16,), jnp.float32)
        return carry
    lax.fori_loop(0, K // 16, fill_ones, 0)
    _zero_vec_f32(zeros_v, RPT)

    row0 = s * RPT
    pltpu.sync_copy(zeros_v, dego.at[pl.ds(row0, RPT)])
    pltpu.sync_copy(zeros_v, degi.at[pl.ds(row0, RPT)])
    plsc.subcore_barrier()

    base = c * EPC + s * EPT

    def step(i, carry):
        off = pl.multiple_of(base + i * K, 8)
        pltpu.sync_copy(src_hbm.at[pl.ds(off, K)], idx_v)
        pltpu.sync_copy(ones_v, dego.at[idx_v], add=True)
        pltpu.sync_copy(dst_hbm.at[pl.ds(off, K)], idx_v)
        pltpu.sync_copy(ones_v, degi.at[idx_v], add=True)
        return carry
    lax.fori_loop(0, CHUNKS, step, 0)
    plsc.subcore_barrier()

    pltpu.sync_copy(dego.at[pl.ds(row0, RPT)], out_hbm.at[c, 0, pl.ds(row0, RPT)])
    pltpu.sync_copy(degi.at[pl.ds(row0, RPT)], out_hbm.at[c, 1, pl.ds(row0, RPT)])



def _make_segsum(d):
    @functools.partial(
        pl.kernel,
        mesh=_MESH,
        compiler_params=pltpu.CompilerParams(use_tc_tiling_on_sc=False),
        out_type=jax.ShapeDtypeStruct((NC, NP, d), jnp.float32),
        scratch_types=[
            pltpu.VMEM((K,), jnp.int32),
            pltpu.VMEM((K,), jnp.int32),
            pltpu.VMEM((K, d), jnp.float32),
            pltpu.VMEM_SHARED((NP, d), jnp.float32),
            pltpu.SemaphoreType.DMA,
        ],
    )
    def seg(z_hbm, src_hbm, dst_hbm, out_hbm, sidx, didx, gbuf, accum, sem):
        c = lax.axis_index("c")
        s = lax.axis_index("s")

        def zrow(i, carry):
            r = i // (d // 16)
            col = (i % (d // 16)) * 16
            gbuf[r, pl.ds(col, 16)] = jnp.zeros((16,), jnp.float32)
            return carry
        lax.fori_loop(0, K * d // 16, zrow, 0)
        for j in range(RPT // K):
            pltpu.sync_copy(gbuf, accum.at[pl.ds(s * RPT + j * K, K)])
        plsc.subcore_barrier()

        base = c * EPC + s * EPT

        def step(i, carry):
            off = pl.multiple_of(base + i * K, 8)
            pltpu.sync_copy(src_hbm.at[pl.ds(off, K)], sidx)
            pltpu.sync_copy(dst_hbm.at[pl.ds(off, K)], didx)
            pltpu.async_copy(z_hbm.at[sidx], gbuf, sem).wait()
            pltpu.sync_copy(gbuf, accum.at[didx], add=True)
            return carry
        lax.fori_loop(0, CHUNKS, step, 0)
        plsc.subcore_barrier()

        for j in range(RPT // K):
            r = s * RPT + j * K
            pltpu.sync_copy(accum.at[pl.ds(r, K)], out_hbm.at[c, pl.ds(r, K)])

    return seg


_sc_segsum_128 = _make_segsum(D1)
_sc_segsum_64 = _make_segsum(D2)



_BN = 1024


def _norms(deg_ref, which):
    deg = deg_ref[0, which, :] + deg_ref[1, which, :]
    return lax.rsqrt(jnp.maximum(deg, 1.0))


def _tc1_body(x_ref, w_ref, deg_ref, o_ref):
    ns = _norms(deg_ref, 0)
    z = jnp.dot(x_ref[...], w_ref[...], preferred_element_type=jnp.float32)
    o_ref[...] = z * ns[:, None]


def _tc1(x, w1, degp):
    return pl.pallas_call(
        _tc1_body,
        grid=(NP // _BN,),
        in_specs=[
            pl.BlockSpec((_BN, D1), lambda i: (i, 0)),
            pl.BlockSpec((D1, D1), lambda i: (0, 0)),
            pl.BlockSpec((NC, 2, _BN), lambda i: (0, 0, i)),
        ],
        out_specs=pl.BlockSpec((_BN, D1), lambda i: (i, 0)),
        out_shape=jax.ShapeDtypeStruct((NP, D1), jnp.float32),
    )(x, w1, degp)


def _tc2_body(a_ref, deg_ref, b1_ref, w_ref, o_ref):
    a = a_ref[0] + a_ref[1]
    nd = _norms(deg_ref, 1)
    ns = _norms(deg_ref, 0)
    h = jnp.maximum(a * nd[:, None] + b1_ref[...][None, :], 0.0)
    z = jnp.dot(h, w_ref[...], preferred_element_type=jnp.float32)
    o_ref[...] = z * ns[:, None]


def _tc2(a1, degp, b1, w2):
    return pl.pallas_call(
        _tc2_body,
        grid=(NP // _BN,),
        in_specs=[
            pl.BlockSpec((NC, _BN, D1), lambda i: (0, i, 0)),
            pl.BlockSpec((NC, 2, _BN), lambda i: (0, 0, i)),
            pl.BlockSpec((D1,), lambda i: (0,)),
            pl.BlockSpec((D1, D2), lambda i: (0, 0)),
        ],
        out_specs=pl.BlockSpec((_BN, D2), lambda i: (i, 0)),
        out_shape=jax.ShapeDtypeStruct((NP, D2), jnp.float32),
    )(a1, degp, b1, w2)


def _tc3_body(a_ref, deg_ref, b2_ref, o_ref):
    a = a_ref[0] + a_ref[1]
    nd = _norms(deg_ref, 1)
    o_ref[...] = a * nd[:, None] + b2_ref[...][None, :]


def _tc3(a2, degp, b2):
    return pl.pallas_call(
        _tc3_body,
        grid=(NP // _BN,),
        in_specs=[
            pl.BlockSpec((NC, _BN, D2), lambda i: (0, i, 0)),
            pl.BlockSpec((NC, 2, _BN), lambda i: (0, 0, i)),
            pl.BlockSpec((D2,), lambda i: (0,)),
        ],
        out_specs=pl.BlockSpec((_BN, D2), lambda i: (i, 0)),
        out_shape=jax.ShapeDtypeStruct((NP, D2), jnp.float32),
    )(a2, degp, b2)



def kernel(node_embeddings, edge_index, edge_encodings, W1, b1, W2, b2):
    del edge_encodings
    src = edge_index[0]
    dst = edge_index[1]
    x = jnp.pad(node_embeddings, ((0, NP - N), (0, 0)))
    degp = _sc_degrees(src, dst)
    z1 = _tc1(x, W1, degp)
    a1 = _sc_segsum_128(z1, src, dst)
    z2 = _tc2(a1, degp, b1, W2)
    a2 = _sc_segsum_64(z2, src, dst)
    out = _tc3(a2, degp, b2)
    return out[:N]

# --- scband reference (transcript-rebuilt; emitter-appended) ---
"""Pipeline reference for scband-gcnmodel-65678639891196 (READ-ONLY COPY).

The authoritative reference and input builder live on the scoring server;
editing this copy changes nothing except your own understanding.
"""

import jax, jax.numpy as jnp
import numpy as np

N = 10000
E = 320000
D_IN = 128
D_HID = 128
D_OUT = 64


def setup_inputs(seed: int = 0) -> dict:
    key = jax.random.key(seed)
    k1, k2, k3, k4, k5 = jax.random.split(key, 5)
    node_embeddings = jax.random.normal(k1, (N, D_IN), dtype=jnp.float32)
    edge_index = jax.random.randint(k2, (2, E), 0, N, dtype=jnp.int32)
    edge_encodings = jax.random.normal(k3, (E, 4), dtype=jnp.float32)
    W1 = jax.random.normal(k4, (D_IN, D_HID), dtype=jnp.float32) * (1.0 / np.sqrt(D_IN))
    b1 = jnp.zeros((D_HID,), dtype=jnp.float32)
    W2 = jax.random.normal(k5, (D_HID, D_OUT), dtype=jnp.float32) * (1.0 / np.sqrt(D_HID))
    b2 = jnp.zeros((D_OUT,), dtype=jnp.float32)
    return {
        'node_embeddings': node_embeddings,
        'edge_index': edge_index,
        'edge_encodings': edge_encodings,
        'W1': W1, 'b1': b1, 'W2': W2, 'b2': b2,
    }


def _graph_conv(h, src, dst, W, b, n_nodes):
    # DGL GraphConv with norm='both': D^{-1/2} A D^{-1/2} X W + b
    ones = jnp.ones((src.shape[0],), dtype=h.dtype)
    deg_out = jax.ops.segment_sum(ones, src, num_segments=n_nodes)
    deg_in = jax.ops.segment_sum(ones, dst, num_segments=n_nodes)
    norm_src = jnp.clip(deg_out, 1.0, None) ** -0.5
    norm_dst = jnp.clip(deg_in, 1.0, None) ** -0.5
    h = h * norm_src[:, None]
    msgs = h[src]  # gather over edges
    agg = jax.ops.segment_sum(msgs, dst, num_segments=n_nodes)  # scatter-add
    agg = agg * norm_dst[:, None]
    return agg @ W + b


def reference(node_embeddings, edge_index, edge_encodings, W1, b1, W2, b2):
    src = edge_index[0]
    dst = edge_index[1]
    n_nodes = node_embeddings.shape[0]
    h = _graph_conv(node_embeddings, src, dst, W1, b1, n_nodes)
    h = jax.nn.relu(h)
    h = _graph_conv(h, src, dst, W2, b2, n_nodes)
    return h

if __name__ == "__main__":
    import jax
    _d = setup_inputs()
    print(jax.jit(kernel)(*tuple(_d.values())))

</pallas_src>

<mosaic_0001>
#map = affine_map<(d0, d1) -> (0)>
#map1 = affine_map<(d0, d1) -> (0, 0, 0)>
module attributes {stable_mosaic.version = 14 : i64} {
  func.func @_sc_degrees(%arg0: i32, %arg1: i32, %arg2: memref<320000xi32, #tpu.memory_space<hbm>>, %arg3: memref<320000xi32, #tpu.memory_space<hbm>>, %arg4: memref<2x2x10240xf32, #tpu.memory_space<hbm>>, %arg5: memref<80xi32, #tpu.memory_space<vmem>>, %arg6: memref<80xf32, #tpu.memory_space<vmem>>, %arg7: memref<640xf32, #tpu.memory_space<vmem>>, %arg8: memref<10240xf32, #tpu.memory_space<vmem_shared>>, %arg9: memref<10240xf32, #tpu.memory_space<vmem_shared>>) attributes {dimension_semantics = [#tpu.dimension_semantics<core_parallel>, #tpu.dimension_semantics<subcore_parallel>], iteration_bounds = array<i64: 2, 16>, scalar_prefetch = 0 : i64, scratch_operands = 5 : i64, tpu.core_type = #tpu.core_type<sc_vector_subcore>, window_params = [{transform_indices = #map}, {transform_indices = #map}, {transform_indices = #map1}]} {
    %scan3A = arith.constant 0 : i32
    %scan3A_0 = arith.constant 0 : i32
    %scan3A_1 = arith.constant 5 : i32
    %scan3A_2 = arith.addi %scan3A_0, %scan3A_1 : i32
    %scan3A_3 = arith.constant 1 : i32
    scf.for %scan3A_24 = %scan3A_0 to %scan3A_2 step %scan3A_3  : i32 {
      %broadcast_in_dim3A = arith.constant 1.000000e+00 : f32
      %broadcast_in_dim3A_25 = vector.broadcast %broadcast_in_dim3A : f32 to vector<16xf32>
      %mul3A_26 = arith.constant 16 : i32
      %mul3A_27 = arith.muli %scan3A_24, %mul3A_26 : i32
      %swap3A = arith.index_cast %mul3A_27 : i32 to index
      %swap3A_28 = tpu.vector_load %arg6[%swap3A] {strides = array<i32>} : memref<80xf32, #tpu.memory_space<vmem>>, vector<16xf32>,
      %swap3A_29 = vector.shape_cast %swap3A_28 : vector<16xf32> to vector<16xf32>
      %swap3A_30 = vector.shape_cast %broadcast_in_dim3A_25 : vector<16xf32> to vector<16xf32>
      tpu.vector_store %arg6[%swap3A], %swap3A_30 {strides = array<i32>} : memref<80xf32, #tpu.memory_space<vmem>>, vector<16xf32>,
    }
    %scan3A_4 = arith.constant 5 : i32
    %scan3A_5 = arith.constant 0 : i32
    %scan3A_6 = arith.constant 0 : i32
    %scan3A_7 = arith.constant 40 : i32
    %scan3A_8 = arith.addi %scan3A_6, %scan3A_7 : i32
    %scan3A_9 = arith.constant 1 : i32
    scf.for %scan3A_24 = %scan3A_6 to %scan3A_8 step %scan3A_9  : i32 {
      %broadcast_in_dim3A = arith.constant 0.000000e+00 : f32
      %broadcast_in_dim3A_25 = vector.broadcast %broadcast_in_dim3A : f32 to vector<16xf32>
      %mul3A_26 = arith.constant 16 : i32
      %mul3A_27 = arith.muli %scan3A_24, %mul3A_26 : i32
      %swap3A = arith.index_cast %mul3A_27 : i32 to index
      %swap3A_28 = tpu.vector_load %arg7[%swap3A] {strides = array<i32>} : memref<640xf32, #tpu.memory_space<vmem>>, vector<16xf32>,
      %swap3A_29 = vector.shape_cast %swap3A_28 : vector<16xf32> to vector<16xf32>
      %swap3A_30 = vector.shape_cast %broadcast_in_dim3A_25 : vector<16xf32> to vector<16xf32>
      tpu.vector_store %arg7[%swap3A], %swap3A_30 {strides = array<i32>} : memref<640xf32, #tpu.memory_space<vmem>>, vector<16xf32>,
    }
    %scan3A_10 = arith.constant 40 : i32
    %mul3A = arith.constant 640 : i32
    %mul3A_11 = arith.muli %arg1, %mul3A : i32
    "tpu.region"() ({
      %run_scoped3A_24 = tpu.sem_alloc : memref<!tpu.dma_semaphore, #tpu.memory_space<semaphore_mem>>
      %dma_start3A = tpu.memref_slice %arg8[%mul3A_11] : memref<10240xf32, #tpu.memory_space<vmem_shared>> -> memref<640xf32, #tpu.memory_space<vmem_shared>>
      %dma_start3A_25 = tpu.memref_slice %arg8[%mul3A_11] : memref<10240xf32, #tpu.memory_space<vmem_shared>> -> memref<640xf32, #tpu.memory_space<vmem_shared>>
      tpu.enqueue_dma source(%arg7 : memref<640xf32, #tpu.memory_space<vmem>>) target(%dma_start3A_25 : memref<640xf32, #tpu.memory_space<vmem_shared>>) target_semaphore(%run_scoped3A_24 : memref<!tpu.dma_semaphore, #tpu.memory_space<semaphore_mem>>)
      %dma_wait3A = tpu.memref_slice %arg8[%mul3A_11] : memref<10240xf32, #tpu.memory_space<vmem_shared>> -> memref<640xf32, #tpu.memory_space<vmem_shared>>
      %dma_wait3A_26 = tpu.memref_slice %arg8[%mul3A_11] : memref<10240xf32, #tpu.memory_space<vmem_shared>> -> memref<640xf32, #tpu.memory_space<vmem_shared>>
      tpu.wait_dma2 semaphore(%run_scoped3A_24 : memref<!tpu.dma_semaphore, #tpu.memory_space<semaphore_mem>>) src(%arg7 : memref<640xf32, #tpu.memory_space<vmem>>) dst(%dma_wait3A_26 : memref<640xf32, #tpu.memory_space<vmem_shared>>)
      tpu.yield
    }) : () -> ()
    "tpu.region"() ({
      %run_scoped3A_24 = tpu.sem_alloc : memref<!tpu.dma_semaphore, #tpu.memory_space<semaphore_mem>>
      %dma_start3A = tpu.memref_slice %arg9[%mul3A_11] : memref<10240xf32, #tpu.memory_space<vmem_shared>> -> memref<640xf32, #tpu.memory_space<vmem_shared>>
      %dma_start3A_25 = tpu.memref_slice %arg9[%mul3A_11] : memref<10240xf32, #tpu.memory_space<vmem_shared>> -> memref<640xf32, #tpu.memory_space<vmem_shared>>
      tpu.enqueue_dma source(%arg7 : memref<640xf32, #tpu.memory_space<vmem>>) target(%dma_start3A_25 : memref<640xf32, #tpu.memory_space<vmem_shared>>) target_semaphore(%run_scoped3A_24 : memref<!tpu.dma_semaphore, #tpu.memory_space<semaphore_mem>>)
      %dma_wait3A = tpu.memref_slice %arg9[%mul3A_11] : memref<10240xf32, #tpu.memory_space<vmem_shared>> -> memref<640xf32, #tpu.memory_space<vmem_shared>>
      %dma_wait3A_26 = tpu.memref_slice %arg9[%mul3A_11] : memref<10240xf32, #tpu.memory_space<vmem_shared>> -> memref<640xf32, #tpu.memory_space<vmem_shared>>
      tpu.wait_dma2 semaphore(%run_scoped3A_24 : memref<!tpu.dma_semaphore, #tpu.memory_space<semaphore_mem>>) src(%arg7 : memref<640xf32, #tpu.memory_space<vmem>>) dst(%dma_wait3A_26 : memref<640xf32, #tpu.memory_space<vmem_shared>>)
      tpu.yield
    }) : () -> ()
    %barrier3A = arith.constant 0 : index
    tpu.barrier barrier_id(%barrier3A)
    %mul3A_12 = arith.constant 160000 : i32
    %mul3A_13 = arith.muli %arg0, %mul3A_12 : i32
    %mul3A_14 = arith.constant 10000 : i32
    %mul3A_15 = arith.muli %arg1, %mul3A_14 : i32
    %add3A = arith.addi %mul3A_13, %mul3A_15 : i32
    %scan3A_16 = arith.constant 0 : i32
    %scan3A_17 = arith.constant 0 : i32
    %scan3A_18 = arith.constant 125 : i32
    %scan3A_19 = arith.addi %scan3A_17, %scan3A_18 : i32
    %scan3A_20 = arith.constant 1 : i32
    scf.for %scan3A_24 = %scan3A_17 to %scan3A_19 step %scan3A_20  : i32 {
      %mul3A_25 = arith.constant 80 : i32
      %mul3A_26 = arith.muli %scan3A_24, %mul3A_25 : i32
      %add3A_27 = arith.addi %add3A, %mul3A_26 : i32
      %multiple_of3A = tpu.assume_multiple %add3A_27, 8 : i32
      "tpu.region"() ({
        %run_scoped3A_28 = tpu.sem_alloc : memref<!tpu.dma_semaphore, #tpu.memory_space<semaphore_mem>>
        %dma_start3A = tpu.memref_slice %arg2[%multiple_of3A] : memref<320000xi32, #tpu.memory_space<hbm>> -> memref<80xi32, #tpu.memory_space<hbm>>
        %dma_start3A_29 = tpu.memref_slice %arg2[%multiple_of3A] : memref<320000xi32, #tpu.memory_space<hbm>> -> memref<80xi32, #tpu.memory_space<hbm>>
        tpu.enqueue_dma source(%dma_start3A_29 : memref<80xi32, #tpu.memory_space<hbm>>) target(%arg5 : memref<80xi32, #tpu.memory_space<vmem>>) target_semaphore(%run_scoped3A_28 : memref<!tpu.dma_semaphore, #tpu.memory_space<semaphore_mem>>)
        %dma_wait3A = tpu.memref_slice %arg2[%multiple_of3A] : memref<320000xi32, #tpu.memory_space<hbm>> -> memref<80xi32, #tpu.memory_space<hbm>>
        %dma_wait3A_30 = tpu.memref_slice %arg2[%multiple_of3A] : memref<320000xi32, #tpu.memory_space<hbm>> -> memref<80xi32, #tpu.memory_space<hbm>>
        tpu.wait_dma2 semaphore(%run_scoped3A_28 : memref<!tpu.dma_semaphore, #tpu.memory_space<semaphore_mem>>) src(%dma_wait3A_30 : memref<80xi32, #tpu.memory_space<hbm>>) dst(%arg5 : memref<80xi32, #tpu.memory_space<vmem>>)
        tpu.yield
      }) : () -> ()
      "tpu.region"() ({
        %run_scoped3A_28 = tpu.sem_alloc : memref<!tpu.dma_semaphore, #tpu.memory_space<semaphore_mem>>
        %dma_start3A = arith.constant 0 : i32
        %dma_start3A_29 = tpu.memref_slice %arg8[%dma_start3A] : memref<10240xf32, #tpu.memory_space<vmem_shared>> -> memref<10240xf32, #tpu.memory_space<vmem_shared>>
        tpu.enqueue_indirect_dma source(%arg6 : memref<80xf32, #tpu.memory_space<vmem>>) target(%dma_start3A_29 : memref<10240xf32, #tpu.memory_space<vmem_shared>>) offsets(%arg5 : memref<80xi32, #tpu.memory_space<vmem>>) semaphore(%run_scoped3A_28 : memref<!tpu.dma_semaphore, #tpu.memory_space<semaphore_mem>>) {add = true}
        %dma_wait3A = arith.constant 0 : i32
        %dma_wait3A_30 = tpu.memref_slice %arg8[%dma_wait3A] : memref<10240xf32, #tpu.memory_space<vmem_shared>> -> memref<10240xf32, #tpu.memory_space<vmem_shared>>
        tpu.wait_indirect_dma semaphore(%run_scoped3A_28 : memref<!tpu.dma_semaphore, #tpu.memory_space<semaphore_mem>>) src(%arg6 : memref<80xf32, #tpu.memory_space<vmem>>) dst(%dma_wait3A_30 : memref<10240xf32, #tpu.memory_space<vmem_shared>>)
        tpu.yield
      }) : () -> ()
      "tpu.region"() ({
        %run_scoped3A_28 = tpu.sem_alloc : memref<!tpu.dma_semaphore, #tpu.memory_space<semaphore_mem>>
        %dma_start3A = tpu.memref_slice %arg3[%multiple_of3A] : memref<320000xi32, #tpu.memory_space<hbm>> -> memref<80xi32, #tpu.memory_space<hbm>>
        %dma_start3A_29 = tpu.memref_slice %arg3[%multiple_of3A] : memref<320000xi32, #tpu.memory_space<hbm>> -> memref<80xi32, #tpu.memory_space<hbm>>
        tpu.enqueue_dma source(%dma_start3A_29 : memref<80xi32, #tpu.memory_space<hbm>>) target(%arg5 : memref<80xi32, #tpu.memory_space<vmem>>) target_semaphore(%run_scoped3A_28 : memref<!tpu.dma_semaphore, #tpu.memory_space<semaphore_mem>>)
        %dma_wait3A = tpu.memref_slice %arg3[%multiple_of3A] : memref<320000xi32, #tpu.memory_space<hbm>> -> memref<80xi32, #tpu.memory_space<hbm>>
        %dma_wait3A_30 = tpu.memref_slice %arg3[%multiple_of3A] : memref<320000xi32, #tpu.memory_space<hbm>> -> memref<80xi32, #tpu.memory_space<hbm>>
        tpu.wait_dma2 semaphore(%run_scoped3A_28 : memref<!tpu.dma_semaphore, #tpu.memory_space<semaphore_mem>>) src(%dma_wait3A_30 : memref<80xi32, #tpu.memory_space<hbm>>) dst(%arg5 : memref<80xi32, #tpu.memory_space<vmem>>)
        tpu.yield
      }) : () -> ()
      "tpu.region"() ({
        %run_scoped3A_28 = tpu.sem_alloc : memref<!tpu.dma_semaphore, #tpu.memory_space<semaphore_mem>>
        %dma_start3A = arith.constant 0 : i32
        %dma_start3A_29 = tpu.memref_slice %arg9[%dma_start3A] : memref<10240xf32, #tpu.memory_space<vmem_shared>> -> memref<10240xf32, #tpu.memory_space<vmem_shared>>
        tpu.enqueue_indirect_dma source(%arg6 : memref<80xf32, #tpu.memory_space<vmem>>) target(%dma_start3A_29 : memref<10240xf32, #tpu.memory_space<vmem_shared>>) offsets(%arg5 : memref<80xi32, #tpu.memory_space<vmem>>) semaphore(%run_scoped3A_28 : memref<!tpu.dma_semaphore, #tpu.memory_space<semaphore_mem>>) {add = true}
        %dma_wait3A = arith.constant 0 : i32
        %dma_wait3A_30 = tpu.memref_slice %arg9[%dma_wait3A] : memref<10240xf32, #tpu.memory_space<vmem_shared>> -> memref<10240xf32, #tpu.memory_space<vmem_shared>>
        tpu.wait_indirect_dma semaphore(%run_scoped3A_28 : memref<!tpu.dma_semaphore, #tpu.memory_space<semaphore_mem>>) src(%arg6 : memref<80xf32, #tpu.memory_space<vmem>>) dst(%dma_wait3A_30 : memref<10240xf32, #tpu.memory_space<vmem_shared>>)
        tpu.yield
      }) : () -> ()
    }
    %scan3A_21 = arith.constant 125 : i32
    %barrier3A_22 = arith.constant 0 : index
    tpu.barrier barrier_id(%barrier3A_22)
    %run_scoped3A = arith.constant 0 : i32
    "tpu.region"() ({
      %run_scoped3A_24 = tpu.sem_alloc : memref<!tpu.dma_semaphore, #tpu.memory_space<semaphore_mem>>
      %dma_start3A = tpu.memref_slice %arg4[%arg0, %run_scoped3A, %mul3A_11] : memref<2x2x10240xf32, #tpu.memory_space<hbm>> -> memref<1x1x640xf32, #tpu.memory_space<hbm>>
      %dma_start3A_25 = tpu.memref_squeeze %dma_start3A : memref<1x1x640xf32, #tpu.memory_space<hbm>> -> memref<640xf32, #tpu.memory_space<hbm>>
      %dma_start3A_26 = tpu.memref_slice %arg8[%mul3A_11] : memref<10240xf32, #tpu.memory_space<vmem_shared>> -> memref<640xf32, #tpu.memory_space<vmem_shared>>
      tpu.enqueue_dma source(%dma_start3A_26 : memref<640xf32, #tpu.memory_space<vmem_shared>>) target(%dma_start3A_25 : memref<640xf32, #tpu.memory_space<hbm>>) target_semaphore(%run_scoped3A_24 : memref<!tpu.dma_semaphore, #tpu.memory_space<semaphore_mem>>)
      %dma_wait3A = tpu.memref_slice %arg4[%arg0, %run_scoped3A, %mul3A_11] : memref<2x2x10240xf32, #tpu.memory_space<hbm>> -> memref<1x1x640xf32, #tpu.memory_space<hbm>>
      %dma_wait3A_27 = tpu.memref_squeeze %dma_wait3A : memref<1x1x640xf32, #tpu.memory_space<hbm>> -> memref<640xf32, #tpu.memory_space<hbm>>
      %dma_wait3A_28 = tpu.memref_slice %arg8[%mul3A_11] : memref<10240xf32, #tpu.memory_space<vmem_shared>> -> memref<640xf32, #tpu.memory_space<vmem_shared>>
      tpu.wait_dma2 semaphore(%run_scoped3A_24 : memref<!tpu.dma_semaphore, #tpu.memory_space<semaphore_mem>>) src(%dma_wait3A_28 : memref<640xf32, #tpu.memory_space<vmem_shared>>) dst(%dma_wait3A_27 : memref<640xf32, #tpu.memory_space<hbm>>)
      tpu.yield
    }) : () -> ()
    %run_scoped3A_23 = arith.constant 1 : i32
    "tpu.region"() ({
      %run_scoped3A_24 = tpu.sem_alloc : memref<!tpu.dma_semaphore, #tpu.memory_space<semaphore_mem>>
      %dma_start3A = tpu.memref_slice %arg4[%arg0, %run_scoped3A_23, %mul3A_11] : memref<2x2x10240xf32, #tpu.memory_space<hbm>> -> memref<1x1x640xf32, #tpu.memory_space<hbm>>
      %dma_start3A_25 = tpu.memref_squeeze %dma_start3A : memref<1x1x640xf32, #tpu.memory_space<hbm>> -> memref<640xf32, #tpu.memory_space<hbm>>
      %dma_start3A_26 = tpu.memref_slice %arg9[%mul3A_11] : memref<10240xf32, #tpu.memory_space<vmem_shared>> -> memref<640xf32, #tpu.memory_space<vmem_shared>>
      tpu.enqueue_dma source(%dma_start3A_26 : memref<640xf32, #tpu.memory_space<vmem_shared>>) target(%dma_start3A_25 : memref<640xf32, #tpu.memory_space<hbm>>) target_semaphore(%run_scoped3A_24 : memref<!tpu.dma_semaphore, #tpu.memory_space<semaphore_mem>>)
      %dma_wait3A = tpu.memref_slice %arg4[%arg0, %run_scoped3A_23, %mul3A_11] : memref<2x2x10240xf32, #tpu.memory_space<hbm>> -> memref<1x1x640xf32, #tpu.memory_space<hbm>>
      %dma_wait3A_27 = tpu.memref_squeeze %dma_wait3A : memref<1x1x640xf32, #tpu.memory_space<hbm>> -> memref<640xf32, #tpu.memory_space<hbm>>
      %dma_wait3A_28 = tpu.memref_slice %arg9[%mul3A_11] : memref<10240xf32, #tpu.memory_space<vmem_shared>> -> memref<640xf32, #tpu.memory_space<vmem_shared>>
      tpu.wait_dma2 semaphore(%run_scoped3A_24 : memref<!tpu.dma_semaphore, #tpu.memory_space<semaphore_mem>>) src(%dma_wait3A_28 : memref<640xf32, #tpu.memory_space<vmem_shared>>) dst(%dma_wait3A_27 : memref<640xf32, #tpu.memory_space<hbm>>)
      tpu.yield
    }) : () -> ()
    return
  }
}

#map = affine_map<(d0, d1) -> (0, 0)>
#map1 = affine_map<(d0, d1) -> (0)>
#map2 = affine_map<(d0, d1) -> (0, 0, 0)>
module attributes {stable_mosaic.version = 14 : i64} {
  func.func @seg(%arg0: i32, %arg1: i32, %arg2: memref<10240x128xf32, #tpu.memory_space<hbm>>, %arg3: memref<320000xi32, #tpu.memory_space<hbm>>, %arg4: memref<320000xi32, #tpu.memory_space<hbm>>, %arg5: memref<2x10240x128xf32, #tpu.memory_space<hbm>>, %arg6: memref<80xi32, #tpu.memory_space<vmem>>, %arg7: memref<80xi32, #tpu.memory_space<vmem>>, %arg8: memref<80x128xf32, #tpu.memory_space<vmem>>, %arg9: memref<10240x128xf32, #tpu.memory_space<vmem_shared>>, %arg10: memref<!tpu.dma_semaphore, #tpu.memory_space<semaphore_mem>>) attributes {dimension_semantics = [#tpu.dimension_semantics<core_parallel>, #tpu.dimension_semantics<subcore_parallel>], iteration_bounds = array<i64: 2, 16>, scalar_prefetch = 0 : i64, scratch_operands = 5 : i64, tpu.core_type = #tpu.core_type<sc_vector_subcore>, window_params = [{transform_indices = #map}, {transform_indices = #map1}, {transform_indices = #map1}, {transform_indices = #map2}]} {
    %scan3A = arith.constant 0 : i32
    %scan3A_0 = arith.constant 0 : i32
    %scan3A_1 = arith.constant 640 : i32
    %scan3A_2 = arith.addi %scan3A_0, %scan3A_1 : i32
    %scan3A_3 = arith.constant 1 : i32
    scf.for %scan3A_79 = %scan3A_0 to %scan3A_2 step %scan3A_3  : i32 {
      %jit3A = arith.constant 8 : i32
      %div3A = arith.divsi %scan3A_79, %jit3A : i32
      %sign3A = arith.constant 0 : i32
      %sign3A_80 = arith.cmpi sgt, %scan3A_79, %sign3A : i32
      %sign3A_81 = arith.extui %sign3A_80 : i1 to i32
      %sign3A_82 = arith.constant 0 : i32
      %sign3A_83 = arith.cmpi slt, %scan3A_79, %sign3A_82 : i32
      %sign3A_84 = arith.extui %sign3A_83 : i1 to i32
      %sign3A_85 = arith.subi %sign3A_81, %sign3A_84 : i32
      %sign3A_86 = arith.constant 0 : i32
      %sign3A_87 = arith.cmpi sgt, %jit3A, %sign3A_86 : i32
      %sign3A_88 = arith.extui %sign3A_87 : i1 to i32
      %sign3A_89 = arith.constant 0 : i32
      %sign3A_90 = arith.cmpi slt, %jit3A, %sign3A_89 : i32
      %sign3A_91 = arith.extui %sign3A_90 : i1 to i32
      %sign3A_92 = arith.subi %sign3A_88, %sign3A_91 : i32
      %ne3A = arith.cmpi ne, %sign3A_85, %sign3A_92 : i32
      %rem3A = arith.remsi %scan3A_79, %jit3A : i32
      %ne3A_93 = arith.constant 0 : i32
      %ne3A_94 = arith.cmpi ne, %rem3A, %ne3A_93 : i32
      %and3A = arith.andi %ne3A, %ne3A_94 : i1
      %sub3A = arith.constant 1 : i32
      %sub3A_95 = arith.subi %div3A, %sub3A : i32
      %select_n3A = arith.select %and3A, %sub3A_95, %div3A : i32
      %jit3A_96 = arith.constant 8 : i32
      %eq3A = arith.constant 0 : i32
      %eq3A_97 = arith.cmpi eq, %jit3A_96, %eq3A : i32
      %jit3A_98 = arith.constant 1 : i32
      %select_n3A_99 = arith.select %eq3A_97, %jit3A_98, %jit3A_96 : i32
      %rem3A_100 = arith.remsi %scan3A_79, %select_n3A_99 : i32
      %ne3A_101 = arith.constant 0 : i32
      %ne3A_102 = arith.cmpi ne, %rem3A_100, %ne3A_101 : i32
      %lt3A = arith.constant 0 : i32
      %lt3A_103 = arith.cmpi slt, %rem3A_100, %lt3A : i32
      %lt3A_104 = arith.constant 0 : i32
      %lt3A_105 = arith.cmpi slt, %select_n3A_99, %lt3A_104 : i32
      %ne3A_106 = arith.xori %lt3A_103, %lt3A_105 : i1
      %and3A_107 = arith.andi %ne3A_106, %ne3A_102 : i1
      %add3A_108 = arith.addi %rem3A_100, %select_n3A_99 : i32
      %select_n3A_109 = arith.select %and3A_107, %add3A_108, %rem3A_100 : i32
      %mul3A_110 = arith.constant 16 : i32
      %mul3A_111 = arith.muli %select_n3A_109, %mul3A_110 : i32
      %broadcast_in_dim3A = arith.constant 0.000000e+00 : f32
      %broadcast_in_dim3A_112 = vector.broadcast %broadcast_in_dim3A : f32 to vector<16xf32>
      %swap3A = arith.index_cast %select_n3A : i32 to index
      %swap3A_113 = arith.index_cast %mul3A_111 : i32 to index
      %swap3A_114 = tpu.vector_load %arg8[%swap3A, %swap3A_113] {strides = array<i32>} : memref<80x128xf32, #tpu.memory_space<vmem>>, vector<1x16xf32>,
      %swap3A_115 = vector.shape_cast %swap3A_114 : vector<1x16xf32> to vector<16xf32>
      %swap3A_116 = vector.shape_cast %broadcast_in_dim3A_112 : vector<16xf32> to vector<1x16xf32>
      tpu.vector_store %arg8[%swap3A, %swap3A_113], %swap3A_116 {strides = array<i32>} : memref<80x128xf32, #tpu.memory_space<vmem>>, vector<1x16xf32>,
    }
    %scan3A_4 = arith.constant 640 : i32
    %mul3A = arith.constant 640 : i32
    %mul3A_5 = arith.muli %arg1, %mul3A : i32
    %add3A = arith.constant 0 : i32
    %add3A_6 = arith.addi %mul3A_5, %add3A : i32
    "tpu.region"() ({
      %run_scoped3A = tpu.sem_alloc : memref<!tpu.dma_semaphore, #tpu.memory_space<semaphore_mem>>
      %dma_start3A = arith.constant 0 : i32
      %dma_start3A_79 = tpu.memref_slice %arg9[%add3A_6, %dma_start3A] : memref<10240x128xf32, #tpu.memory_space<vmem_shared>> -> memref<80x128xf32, #tpu.memory_space<vmem_shared>>
      %dma_start3A_80 = arith.constant 0 : i32
      %dma_start3A_81 = tpu.memref_slice %arg9[%add3A_6, %dma_start3A_80] : memref<10240x128xf32, #tpu.memory_space<vmem_shared>> -> memref<80x128xf32, #tpu.memory_space<vmem_shared>>
      tpu.enqueue_dma source(%arg8 : memref<80x128xf32, #tpu.memory_space<vmem>>) target(%dma_start3A_81 : memref<80x128xf32, #tpu.memory_space<vmem_shared>>) target_semaphore(%run_scoped3A : memref<!tpu.dma_semaphore, #tpu.memory_space<semaphore_mem>>)
      %dma_wait3A = arith.constant 0 : i32
      %dma_wait3A_82 = tpu.memref_slice %arg9[%add3A_6, %dma_wait3A] : memref<10240x128xf32, #tpu.memory_space<vmem_shared>> -> memref<80x128xf32, #tpu.memory_space<vmem_shared>>
      %dma_wait3A_83 = arith.constant 0 : i32
      %dma_wait3A_84 = tpu.memref_slice %arg9[%add3A_6, %dma_wait3A_83] : memref<10240x128xf32, #tpu.memory_space<vmem_shared>> -> memref<80x128xf32, #tpu.memory_space<vmem_shared>>
      tpu.wait_dma2 semaphore(%run_scoped3A : memref<!tpu.dma_semaphore, #tpu.memory_space<semaphore_mem>>) src(%arg8 : memref<80x128xf32, #tpu.memory_space<vmem>>) dst(%dma_wait3A_84 : memref<80x128xf32, #tpu.memory_space<vmem_shared>>)
      tpu.yield
    }) : () -> ()
    %mul3A_7 = arith.constant 640 : i32
    %mul3A_8 = arith.muli %arg1, %mul3A_7 : i32
    %add3A_9 = arith.constant 80 : i32
    %add3A_10 = arith.addi %mul3A_8, %add3A_9 : i32
    "tpu.region"() ({
      %run_scoped3A = tpu.sem_alloc : memref<!tpu.dma_semaphore, #tpu.memory_space<semaphore_mem>>
      %dma_start3A = arith.constant 0 : i32
      %dma_start3A_79 = tpu.memref_slice %arg9[%add3A_10, %dma_start3A] : memref<10240x128xf32, #tpu.memory_space<vmem_shared>> -> memref<80x128xf32, #tpu.memory_space<vmem_shared>>
      %dma_start3A_80 = arith.constant 0 : i32
      %dma_start3A_81 = tpu.memref_slice %arg9[%add3A_10, %dma_start3A_80] : memref<10240x128xf32, #tpu.memory_space<vmem_shared>> -> memref<80x128xf32, #tpu.memory_space<vmem_shared>>
      tpu.enqueue_dma source(%arg8 : memref<80x128xf32, #tpu.memory_space<vmem>>) target(%dma_start3A_81 : memref<80x128xf32, #tpu.memory_space<vmem_shared>>) target_semaphore(%run_scoped3A : memref<!tpu.dma_semaphore, #tpu.memory_space<semaphore_mem>>)
      %dma_wait3A = arith.constant 0 : i32
      %dma_wait3A_82 = tpu.memref_slice %arg9[%add3A_10, %dma_wait3A] : memref<10240x128xf32, #tpu.memory_space<vmem_shared>> -> memref<80x128xf32, #tpu.memory_space<vmem_shared>>
      %dma_wait3A_83 = arith.constant 0 : i32
      %dma_wait3A_84 = tpu.memref_slice %arg9[%add3A_10, %dma_wait3A_83] : memref<10240x128xf32, #tpu.memory_space<vmem_shared>> -> memref<80x128xf32, #tpu.memory_space<vmem_shared>>
      tpu.wait_dma2 semaphore(%run_scoped3A : memref<!tpu.dma_semaphore, #tpu.memory_space<semaphore_mem>>) src(%arg8 : memref<80x128xf32, #tpu.memory_space<vmem>>) dst(%dma_wait3A_84 : memref<80x128xf32, #tpu.memory_space<vmem_shared>>)
      tpu.yield
    }) : () -> ()
    %mul3A_11 = arith.constant 640 : i32
    %mul3A_12 = arith.muli %arg1, %mul3A_11 : i32
    %add3A_13 = arith.constant 160 : i32
    %add3A_14 = arith.addi %mul3A_12, %add3A_13 : i32
    "tpu.region"() ({
      %run_scoped3A = tpu.sem_alloc : memref<!tpu.dma_semaphore, #tpu.memory_space<semaphore_mem>>
      %dma_start3A = arith.constant 0 : i32
      %dma_start3A_79 = tpu.memref_slice %arg9[%add3A_14, %dma_start3A] : memref<10240x128xf32, #tpu.memory_space<vmem_shared>> -> memref<80x128xf32, #tpu.memory_space<vmem_shared>>
      %dma_start3A_80 = arith.constant 0 : i32
      %dma_start3A_81 = tpu.memref_slice %arg9[%add3A_14, %dma_start3A_80] : memref<10240x128xf32, #tpu.memory_space<vmem_shared>> -> memref<80x128xf32, #tpu.memory_space<vmem_shared>>
      tpu.enqueue_dma source(%arg8 : memref<80x128xf32, #tpu.memory_space<vmem>>) target(%dma_start3A_81 : memref<80x128xf32, #tpu.memory_space<vmem_shared>>) target_semaphore(%run_scoped3A : memref<!tpu.dma_semaphore, #tpu.memory_space<semaphore_mem>>)
      %dma_wait3A = arith.constant 0 : i32
      %dma_wait3A_82 = tpu.memref_slice %arg9[%add3A_14, %dma_wait3A] : memref<10240x128xf32, #tpu.memory_space<vmem_shared>> -> memref<80x128xf32, #tpu.memory_space<vmem_shared>>
      %dma_wait3A_83 = arith.constant 0 : i32
      %dma_wait3A_84 = tpu.memref_slice %arg9[%add3A_14, %dma_wait3A_83] : memref<10240x128xf32, #tpu.memory_space<vmem_shared>> -> memref<80x128xf32, #tpu.memory_space<vmem_shared>>
      tpu.wait_dma2 semaphore(%run_scoped3A : memref<!tpu.dma_semaphore, #tpu.memory_space<semaphore_mem>>) src(%arg8 : memref<80x128xf32, #tpu.memory_space<vmem>>) dst(%dma_wait3A_84 : memref<80x128xf32, #tpu.memory_space<vmem_shared>>)
      tpu.yield
    }) : () -> ()
    %mul3A_15 = arith.constant 640 : i32
    %mul3A_16 = arith.muli %arg1, %mul3A_15 : i32
    %add3A_17 = arith.constant 240 : i32
    %add3A_18 = arith.addi %mul3A_16, %add3A_17 : i32
    "tpu.region"() ({
      %run_scoped3A = tpu.sem_alloc : memref<!tpu.dma_semaphore, #tpu.memory_space<semaphore_mem>>
      %dma_start3A = arith.constant 0 : i32
      %dma_start3A_79 = tpu.memref_slice %arg9[%add3A_18, %dma_start3A] : memref<10240x128xf32, #tpu.memory_space<vmem_shared>> -> memref<80x128xf32, #tpu.memory_space<vmem_shared>>
      %dma_start3A_80 = arith.constant 0 : i32
      %dma_start3A_81 = tpu.memref_slice %arg9[%add3A_18, %dma_start3A_80] : memref<10240x128xf32, #tpu.memory_space<vmem_shared>> -> memref<80x128xf32, #tpu.memory_space<vmem_shared>>
      tpu.enqueue_dma source(%arg8 : memref<80x128xf32, #tpu.memory_space<vmem>>) target(%dma_start3A_81 : memref<80x128xf32, #tpu.memory_space<vmem_shared>>) target_semaphore(%run_scoped3A : memref<!tpu.dma_semaphore, #tpu.memory_space<semaphore_mem>>)
      %dma_wait3A = arith.constant 0 : i32
      %dma_wait3A_82 = tpu.memref_slice %arg9[%add3A_18, %dma_wait3A] : memref<10240x128xf32, #tpu.memory_space<vmem_shared>> -> memref<80x128xf32, #tpu.memory_space<vmem_shared>>
      %dma_wait3A_83 = arith.constant 0 : i32
      %dma_wait3A_84 = tpu.memref_slice %arg9[%add3A_18, %dma_wait3A_83] : memref<10240x128xf32, #tpu.memory_space<vmem_shared>> -> memref<80x128xf32, #tpu.memory_space<vmem_shared>>
      tpu.wait_dma2 semaphore(%run_scoped3A : memref<!tpu.dma_semaphore, #tpu.memory_space<semaphore_mem>>) src(%arg8 : memref<80x128xf32, #tpu.memory_space<vmem>>) dst(%dma_wait3A_84 : memref<80x128xf32, #tpu.memory_space<vmem_shared>>)
      tpu.yield
    }) : () -> ()
    %mul3A_19 = arith.constant 640 : i32
    %mul3A_20 = arith.muli %arg1, %mul3A_19 : i32
    %add3A_21 = arith.constant 320 : i32
    %add3A_22 = arith.addi %mul3A_20, %add3A_21 : i32
    "tpu.region"() ({
      %run_scoped3A = tpu.sem_alloc : memref<!tpu.dma_semaphore, #tpu.memory_space<semaphore_mem>>
      %dma_start3A = arith.constant 0 : i32
      %dma_start3A_79 = tpu.memref_slice %arg9[%add3A_22, %dma_start3A] : memref<10240x128xf32, #tpu.memory_space<vmem_shared>> -> memref<80x128xf32, #tpu.memory_space<vmem_shared>>
      %dma_start3A_80 = arith.constant 0 : i32
      %dma_start3A_81 = tpu.memref_slice %arg9[%add3A_22, %dma_start3A_80] : memref<10240x128xf32, #tpu.memory_space<vmem_shared>> -> memref<80x128xf32, #tpu.memory_space<vmem_shared>>
      tpu.enqueue_dma source(%arg8 : memref<80x128xf32, #tpu.memory_space<vmem>>) target(%dma_start3A_81 : memref<80x128xf32, #tpu.memory_space<vmem_shared>>) target_semaphore(%run_scoped3A : memref<!tpu.dma_semaphore, #tpu.memory_space<semaphore_mem>>)
      %dma_wait3A = arith.constant 0 : i32
      %dma_wait3A_82 = tpu.memref_slice %arg9[%add3A_22, %dma_wait3A] : memref<10240x128xf32, #tpu.memory_space<vmem_shared>> -> memref<80x128xf32, #tpu.memory_space<vmem_shared>>
      %dma_wait3A_83 = arith.constant 0 : i32
      %dma_wait3A_84 = tpu.memref_slice %arg9[%add3A_22, %dma_wait3A_83] : memref<10240x128xf32, #tpu.memory_space<vmem_shared>> -> memref<80x128xf32, #tpu.memory_space<vmem_shared>>
      tpu.wait_dma2 semaphore(%run_scoped3A : memref<!tpu.dma_semaphore, #tpu.memory_space<semaphore_mem>>) src(%arg8 : memref<80x128xf32, #tpu.memory_space<vmem>>) dst(%dma_wait3A_84 : memref<80x128xf32, #tpu.memory_space<vmem_shared>>)
      tpu.yield
    }) : () -> ()
    %mul3A_23 = arith.constant 640 : i32
    %mul3A_24 = arith.muli %arg1, %mul3A_23 : i32
    %add3A_25 = arith.constant 400 : i32
    %add3A_26 = arith.addi %mul3A_24, %add3A_25 : i32
    "tpu.region"() ({
      %run_scoped3A = tpu.sem_alloc : memref<!tpu.dma_semaphore, #tpu.memory_space<semaphore_mem>>
      %dma_start3A = arith.constant 0 : i32
      %dma_start3A_79 = tpu.memref_slice %arg9[%add3A_26, %dma_start3A] : memref<10240x128xf32, #tpu.memory_space<vmem_shared>> -> memref<80x128xf32, #tpu.memory_space<vmem_shared>>
      %dma_start3A_80 = arith.constant 0 : i32
      %dma_start3A_81 = tpu.memref_slice %arg9[%add3A_26, %dma_start3A_80] : memref<10240x128xf32, #tpu.memory_space<vmem_shared>> -> memref<80x128xf32, #tpu.memory_space<vmem_shared>>
      tpu.enqueue_dma source(%arg8 : memref<80x128xf32, #tpu.memory_space<vmem>>) target(%dma_start3A_81 : memref<80x128xf32, #tpu.memory_space<vmem_shared>>) target_semaphore(%run_scoped3A : memref<!tpu.dma_semaphore, #tpu.memory_space<semaphore_mem>>)
      %dma_wait3A = arith.constant 0 : i32
      %dma_wait3A_82 = tpu.memref_slice %arg9[%add3A_26, %dma_wait3A] : memref<10240x128xf32, #tpu.memory_space<vmem_shared>> -> memref<80x128xf32, #tpu.memory_space<vmem_shared>>
      %dma_wait3A_83 = arith.constant 0 : i32
      %dma_wait3A_84 = tpu.memref_slice %arg9[%add3A_26, %dma_wait3A_83] : memref<10240x128xf32, #tpu.memory_space<vmem_shared>> -> memref<80x128xf32, #tpu.memory_space<vmem_shared>>
      tpu.wait_dma2 semaphore(%run_scoped3A : memref<!tpu.dma_semaphore, #tpu.memory_space<semaphore_mem>>) src(%arg8 : memref<80x128xf32, #tpu.memory_space<vmem>>) dst(%dma_wait3A_84 : memref<80x128xf32, #tpu.memory_space<vmem_shared>>)
      tpu.yield
    }) : () -> ()
    %mul3A_27 = arith.constant 640 : i32
    %mul3A_28 = arith.muli %arg1, %mul3A_27 : i32
    %add3A_29 = arith.constant 480 : i32
    %add3A_30 = arith.addi %mul3A_28, %add3A_29 : i32
    "tpu.region"() ({
      %run_scoped3A = tpu.sem_alloc : memref<!tpu.dma_semaphore, #tpu.memory_space<semaphore_mem>>
      %dma_start3A = arith.constant 0 : i32
      %dma_start3A_79 = tpu.memref_slice %arg9[%add3A_30, %dma_start3A] : memref<10240x128xf32, #tpu.memory_space<vmem_shared>> -> memref<80x128xf32, #tpu.memory_space<vmem_shared>>
      %dma_start3A_80 = arith.constant 0 : i32
      %dma_start3A_81 = tpu.memref_slice %arg9[%add3A_30, %dma_start3A_80] : memref<10240x128xf32, #tpu.memory_space<vmem_shared>> -> memref<80x128xf32, #tpu.memory_space<vmem_shared>>
      tpu.enqueue_dma source(%arg8 : memref<80x128xf32, #tpu.memory_space<vmem>>) target(%dma_start3A_81 : memref<80x128xf32, #tpu.memory_space<vmem_shared>>) target_semaphore(%run_scoped3A : memref<!tpu.dma_semaphore, #tpu.memory_space<semaphore_mem>>)
      %dma_wait3A = arith.constant 0 : i32
      %dma_wait3A_82 = tpu.memref_slice %arg9[%add3A_30, %dma_wait3A] : memref<10240x128xf32, #tpu.memory_space<vmem_shared>> -> memref<80x128xf32, #tpu.memory_space<vmem_shared>>
      %dma_wait3A_83 = arith.constant 0 : i32
      %dma_wait3A_84 = tpu.memref_slice %arg9[%add3A_30, %dma_wait3A_83] : memref<10240x128xf32, #tpu.memory_space<vmem_shared>> -> memref<80x128xf32, #tpu.memory_space<vmem_shared>>
      tpu.wait_dma2 semaphore(%run_scoped3A : memref<!tpu.dma_semaphore, #tpu.memory_space<semaphore_mem>>) src(%arg8 : memref<80x128xf32, #tpu.memory_space<vmem>>) dst(%dma_wait3A_84 : memref<80x128xf32, #tpu.memory_space<vmem_shared>>)
      tpu.yield
    }) : () -> ()
    %mul3A_31 = arith.constant 640 : i32
    %mul3A_32 = arith.muli %arg1, %mul3A_31 : i32
    %add3A_33 = arith.constant 560 : i32
    %add3A_34 = arith.addi %mul3A_32, %add3A_33 : i32
    "tpu.region"() ({
      %run_scoped3A = tpu.sem_alloc : memref<!tpu.dma_semaphore, #tpu.memory_space<semaphore_mem>>
      %dma_start3A = arith.constant 0 : i32
      %dma_start3A_79 = tpu.memref_slice %arg9[%add3A_34, %dma_start3A] : memref<10240x128xf32, #tpu.memory_space<vmem_shared>> -> memref<80x128xf32, #tpu.memory_space<vmem_shared>>
      %dma_start3A_80 = arith.constant 0 : i32
      %dma_start3A_81 = tpu.memref_slice %arg9[%add3A_34, %dma_start3A_80] : memref<10240x128xf32, #tpu.memory_space<vmem_shared>> -> memref<80x128xf32, #tpu.memory_space<vmem_shared>>
      tpu.enqueue_dma source(%arg8 : memref<80x128xf32, #tpu.memory_space<vmem>>) target(%dma_start3A_81 : memref<80x128xf32, #tpu.memory_space<vmem_shared>>) target_semaphore(%run_scoped3A : memref<!tpu.dma_semaphore, #tpu.memory_space<semaphore_mem>>)
      %dma_wait3A = arith.constant 0 : i32
      %dma_wait3A_82 = tpu.memref_slice %arg9[%add3A_34, %dma_wait3A] : memref<10240x128xf32, #tpu.memory_space<vmem_shared>> -> memref<80x128xf32, #tpu.memory_space<vmem_shared>>
      %dma_wait3A_83 = arith.constant 0 : i32
      %dma_wait3A_84 = tpu.memref_slice %arg9[%add3A_34, %dma_wait3A_83] : memref<10240x128xf32, #tpu.memory_space<vmem_shared>> -> memref<80x128xf32, #tpu.memory_space<vmem_shared>>
      tpu.wait_dma2 semaphore(%run_scoped3A : memref<!tpu.dma_semaphore, #tpu.memory_space<semaphore_mem>>) src(%arg8 : memref<80x128xf32, #tpu.memory_space<vmem>>) dst(%dma_wait3A_84 : memref<80x128xf32, #tpu.memory_space<vmem_shared>>)
      tpu.yield
    }) : () -> ()
    %barrier3A = arith.constant 0 : index
    tpu.barrier barrier_id(%barrier3A)
    %mul3A_35 = arith.constant 160000 : i32
    %mul3A_36 = arith.muli %arg0, %mul3A_35 : i32
    %mul3A_37 = arith.constant 10000 : i32
    %mul3A_38 = arith.muli %arg1, %mul3A_37 : i32
    %add3A_39 = arith.addi %mul3A_36, %mul3A_38 : i32
    %scan3A_40 = arith.constant 0 : i32
    %scan3A_41 = arith.constant 0 : i32
    %scan3A_42 = arith.constant 125 : i32
    %scan3A_43 = arith.addi %scan3A_41, %scan3A_42 : i32
    %scan3A_44 = arith.constant 1 : i32
    scf.for %scan3A_79 = %scan3A_41 to %scan3A_43 step %scan3A_44  : i32 {
      %mul3A_80 = arith.constant 80 : i32
      %mul3A_81 = arith.muli %scan3A_79, %mul3A_80 : i32
      %add3A_82 = arith.addi %add3A_39, %mul3A_81 : i32
      %multiple_of3A = tpu.assume_multiple %add3A_82, 8 : i32
      "tpu.region"() ({
        %run_scoped3A = tpu.sem_alloc : memref<!tpu.dma_semaphore, #tpu.memory_space<semaphore_mem>>
        %dma_start3A_87 = tpu.memref_slice %arg3[%multiple_of3A] : memref<320000xi32, #tpu.memory_space<hbm>> -> memref<80xi32, #tpu.memory_space<hbm>>
        %dma_start3A_88 = tpu.memref_slice %arg3[%multiple_of3A] : memref<320000xi32, #tpu.memory_space<hbm>> -> memref<80xi32, #tpu.memory_space<hbm>>
        tpu.enqueue_dma source(%dma_start3A_88 : memref<80xi32, #tpu.memory_space<hbm>>) target(%arg6 : memref<80xi32, #tpu.memory_space<vmem>>) target_semaphore(%run_scoped3A : memref<!tpu.dma_semaphore, #tpu.memory_space<semaphore_mem>>)
        %dma_wait3A_89 = tpu.memref_slice %arg3[%multiple_of3A] : memref<320000xi32, #tpu.memory_space<hbm>> -> memref<80xi32, #tpu.memory_space<hbm>>
        %dma_wait3A_90 = tpu.memref_slice %arg3[%multiple_of3A] : memref<320000xi32, #tpu.memory_space<hbm>> -> memref<80xi32, #tpu.memory_space<hbm>>
        tpu.wait_dma2 semaphore(%run_scoped3A : memref<!tpu.dma_semaphore, #tpu.memory_space<semaphore_mem>>) src(%dma_wait3A_90 : memref<80xi32, #tpu.memory_space<hbm>>) dst(%arg6 : memref<80xi32, #tpu.memory_space<vmem>>)
        tpu.yield
      }) : () -> ()
      "tpu.region"() ({
        %run_scoped3A = tpu.sem_alloc : memref<!tpu.dma_semaphore, #tpu.memory_space<semaphore_mem>>
        %dma_start3A_87 = tpu.memref_slice %arg4[%multiple_of3A] : memref<320000xi32, #tpu.memory_space<hbm>> -> memref<80xi32, #tpu.memory_space<hbm>>
        %dma_start3A_88 = tpu.memref_slice %arg4[%multiple_of3A] : memref<320000xi32, #tpu.memory_space<hbm>> -> memref<80xi32, #tpu.memory_space<hbm>>
        tpu.enqueue_dma source(%dma_start3A_88 : memref<80xi32, #tpu.memory_space<hbm>>) target(%arg7 : memref<80xi32, #tpu.memory_space<vmem>>) target_semaphore(%run_scoped3A : memref<!tpu.dma_semaphore, #tpu.memory_space<semaphore_mem>>)
        %dma_wait3A_89 = tpu.memref_slice %arg4[%multiple_of3A] : memref<320000xi32, #tpu.memory_space<hbm>> -> memref<80xi32, #tpu.memory_space<hbm>>
        %dma_wait3A_90 = tpu.memref_slice %arg4[%multiple_of3A] : memref<320000xi32, #tpu.memory_space<hbm>> -> memref<80xi32, #tpu.memory_space<hbm>>
        tpu.wait_dma2 semaphore(%run_scoped3A : memref<!tpu.dma_semaphore, #tpu.memory_space<semaphore_mem>>) src(%dma_wait3A_90 : memref<80xi32, #tpu.memory_space<hbm>>) dst(%arg7 : memref<80xi32, #tpu.memory_space<vmem>>)
        tpu.yield
      }) : () -> ()
      %dma_start3A = arith.constant 0 : i32
      %dma_start3A_83 = arith.constant 0 : i32
      %dma_start3A_84 = tpu.memref_slice %arg2[%dma_start3A, %dma_start3A_83] : memref<10240x128xf32, #tpu.memory_space<hbm>> -> memref<10240x128xf32, #tpu.memory_space<hbm>>
      tpu.enqueue_indirect_dma source(%dma_start3A_84 : memref<10240x128xf32, #tpu.memory_space<hbm>>) target(%arg8 : memref<80x128xf32, #tpu.memory_space<vmem>>) offsets(%arg6 : memref<80xi32, #tpu.memory_space<vmem>>) semaphore(%arg10 : memref<!tpu.dma_semaphore, #tpu.memory_space<semaphore_mem>>)
      %dma_wait3A = arith.constant 0 : i32
      %dma_wait3A_85 = arith.constant 0 : i32
      %dma_wait3A_86 = tpu.memref_slice %arg2[%dma_wait3A, %dma_wait3A_85] : memref<10240x128xf32, #tpu.memory_space<hbm>> -> memref<10240x128xf32, #tpu.memory_space<hbm>>
      tpu.wait_indirect_dma semaphore(%arg10 : memref<!tpu.dma_semaphore, #tpu.memory_space<semaphore_mem>>) src(%dma_wait3A_86 : memref<10240x128xf32, #tpu.memory_space<hbm>>) dst(%arg8 : memref<80x128xf32, #tpu.memory_space<vmem>>)
      "tpu.region"() ({
        %run_scoped3A = tpu.sem_alloc : memref<!tpu.dma_semaphore, #tpu.memory_space<semaphore_mem>>
        %dma_start3A_87 = arith.constant 0 : i32
        %dma_start3A_88 = arith.constant 0 : i32
        %dma_start3A_89 = tpu.memref_slice %arg9[%dma_start3A_87, %dma_start3A_88] : memref<10240x128xf32, #tpu.memory_space<vmem_shared>> -> memref<10240x128xf32, #tpu.memory_space<vmem_shared>>
        tpu.enqueue_indirect_dma source(%arg8 : memref<80x128xf32, #tpu.memory_space<vmem>>) target(%dma_start3A_89 : memref<10240x128xf32, #tpu.memory_space<vmem_shared>>) offsets(%arg7 : memref<80xi32, #tpu.memory_space<vmem>>) semaphore(%run_scoped3A : memref<!tpu.dma_semaphore, #tpu.memory_space<semaphore_mem>>) {add = true}
        %dma_wait3A_90 = arith.constant 0 : i32
        %dma_wait3A_91 = arith.constant 0 : i32
        %dma_wait3A_92 = tpu.memref_slice %arg9[%dma_wait3A_90, %dma_wait3A_91] : memref<10240x128xf32, #tpu.memory_space<vmem_shared>> -> memref<10240x128xf32, #tpu.memory_space<vmem_shared>>
        tpu.wait_indirect_dma semaphore(%run_scoped3A : memref<!tpu.dma_semaphore, #tpu.memory_space<semaphore_mem>>) src(%arg8 : memref<80x128xf32, #tpu.memory_space<vmem>>) dst(%dma_wait3A_92 : memref<10240x128xf32, #tpu.memory_space<vmem_shared>>)
        tpu.yield
      }) : () -> ()
    }
    %scan3A_45 = arith.constant 125 : i32
    %barrier3A_46 = arith.constant 0 : index
    tpu.barrier barrier_id(%barrier3A_46)
    %mul3A_47 = arith.constant 640 : i32
    %mul3A_48 = arith.muli %arg1, %mul3A_47 : i32
    %add3A_49 = arith.constant 0 : i32
    %add3A_50 = arith.addi %mul3A_48, %add3A_49 : i32
    "tpu.region"() ({
      %run_scoped3A = tpu.sem_alloc : memref<!tpu.dma_semaphore, #tpu.memory_space<semaphore_mem>>
      %dma_start3A = arith.constant 0 : i32
      %dma_start3A_79 = tpu.memref_slice %arg5[%arg0, %add3A_50, %dma_start3A] : memref<2x10240x128xf32, #tpu.memory_space<hbm>> -> memref<1x80x128xf32, #tpu.memory_space<hbm>>
      %dma_start3A_80 = tpu.memref_squeeze %dma_start3A_79 : memref<1x80x128xf32, #tpu.memory_space<hbm>> -> memref<80x128xf32, #tpu.memory_space<hbm>>
      %dma_start3A_81 = arith.constant 0 : i32
      %dma_start3A_82 = tpu.memref_slice %arg9[%add3A_50, %dma_start3A_81] : memref<10240x128xf32, #tpu.memory_space<vmem_shared>> -> memref<80x128xf32, #tpu.memory_space<vmem_shared>>
      tpu.enqueue_dma source(%dma_start3A_82 : memref<80x128xf32, #tpu.memory_space<vmem_shared>>) target(%dma_start3A_80 : memref<80x128xf32, #tpu.memory_space<hbm>>) target_semaphore(%run_scoped3A : memref<!tpu.dma_semaphore, #tpu.memory_space<semaphore_mem>>)
      %dma_wait3A = arith.constant 0 : i32
      %dma_wait3A_83 = tpu.memref_slice %arg5[%arg0, %add3A_50, %dma_wait3A] : memref<2x10240x128xf32, #tpu.memory_space<hbm>> -> memref<1x80x128xf32, #tpu.memory_space<hbm>>
      %dma_wait3A_84 = tpu.memref_squeeze %dma_wait3A_83 : memref<1x80x128xf32, #tpu.memory_space<hbm>> -> memref<80x128xf32, #tpu.memory_space<hbm>>
      %dma_wait3A_85 = arith.constant 0 : i32
      %dma_wait3A_86 = tpu.memref_slice %arg9[%add3A_50, %dma_wait3A_85] : memref<10240x128xf32, #tpu.memory_space<vmem_shared>> -> memref<80x128xf32, #tpu.memory_space<vmem_shared>>
      tpu.wait_dma2 semaphore(%run_scoped3A : memref<!tpu.dma_semaphore, #tpu.memory_space<semaphore_mem>>) src(%dma_wait3A_86 : memref<80x128xf32, #tpu.memory_space<vmem_shared>>) dst(%dma_wait3A_84 : memref<80x128xf32, #tpu.memory_space<hbm>>)
      tpu.yield
    }) : () -> ()
    %mul3A_51 = arith.constant 640 : i32
    %mul3A_52 = arith.muli %arg1, %mul3A_51 : i32
    %add3A_53 = arith.constant 80 : i32
    %add3A_54 = arith.addi %mul3A_52, %add3A_53 : i32
    "tpu.region"() ({
      %run_scoped3A = tpu.sem_alloc : memref<!tpu.dma_semaphore, #tpu.memory_space<semaphore_mem>>
      %dma_start3A = arith.constant 0 : i32
      %dma_start3A_79 = tpu.memref_slice %arg5[%arg0, %add3A_54, %dma_start3A] : memref<2x10240x128xf32, #tpu.memory_space<hbm>> -> memref<1x80x128xf32, #tpu.memory_space<hbm>>
      %dma_start3A_80 = tpu.memref_squeeze %dma_start3A_79 : memref<1x80x128xf32, #tpu.memory_space<hbm>> -> memref<80x128xf32, #tpu.memory_space<hbm>>
      %dma_start3A_81 = arith.constant 0 : i32
      %dma_start3A_82 = tpu.memref_slice %arg9[%add3A_54, %dma_start3A_81] : memref<10240x128xf32, #tpu.memory_space<vmem_shared>> -> memref<80x128xf32, #tpu.memory_space<vmem_shared>>
      tpu.enqueue_dma source(%dma_start3A_82 : memref<80x128xf32, #tpu.memory_space<vmem_shared>>) target(%dma_start3A_80 : memref<80x128xf32, #tpu.memory_space<hbm>>) target_semaphore(%run_scoped3A : memref<!tpu.dma_semaphore, #tpu.memory_space<semaphore_mem>>)
      %dma_wait3A = arith.constant 0 : i32
      %dma_wait3A_83 = tpu.memref_slice %arg5[%arg0, %add3A_54, %dma_wait3A] : memref<2x10240x128xf32, #tpu.memory_space<hbm>> -> memref<1x80x128xf32, #tpu.memory_space<hbm>>
      %dma_wait3A_84 = tpu.memref_squeeze %dma_wait3A_83 : memref<1x80x128xf32, #tpu.memory_space<hbm>> -> memref<80x128xf32, #tpu.memory_space<hbm>>
      %dma_wait3A_85 = arith.constant 0 : i32
      %dma_wait3A_86 = tpu.memref_slice %arg9[%add3A_54, %dma_wait3A_85] : memref<10240x128xf32, #tpu.memory_space<vmem_shared>> -> memref<80x128xf32, #tpu.memory_space<vmem_shared>>
      tpu.wait_dma2 semaphore(%run_scoped3A : memref<!tpu.dma_semaphore, #tpu.memory_space<semaphore_mem>>) src(%dma_wait3A_86 : memref<80x128xf32, #tpu.memory_space<vmem_shared>>) dst(%dma_wait3A_84 : memref<80x128xf32, #tpu.memory_space<hbm>>)
      tpu.yield
    }) : () -> ()
    %mul3A_55 = arith.constant 640 : i32
    %mul3A_56 = arith.muli %arg1, %mul3A_55 : i32
    %add3A_57 = arith.constant 160 : i32
    %add3A_58 = arith.addi %mul3A_56, %add3A_57 : i32
    "tpu.region"() ({
      %run_scoped3A = tpu.sem_alloc : memref<!tpu.dma_semaphore, #tpu.memory_space<semaphore_mem>>
      %dma_start3A = arith.constant 0 : i32
      %dma_start3A_79 = tpu.memref_slice %arg5[%arg0, %add3A_58, %dma_start3A] : memref<2x10240x128xf32, #tpu.memory_space<hbm>> -> memref<1x80x128xf32, #tpu.memory_space<hbm>>
      %dma_start3A_80 = tpu.memref_squeeze %dma_start3A_79 : memref<1x80x128xf32, #tpu.memory_space<hbm>> -> memref<80x128xf32, #tpu.memory_space<hbm>>
      %dma_start3A_81 = arith.constant 0 : i32
      %dma_start3A_82 = tpu.memref_slice %arg9[%add3A_58, %dma_start3A_81] : memref<10240x128xf32, #tpu.memory_space<vmem_shared>> -> memref<80x128xf32, #tpu.memory_space<vmem_shared>>
      tpu.enqueue_dma source(%dma_start3A_82 : memref<80x128xf32, #tpu.memory_space<vmem_shared>>) target(%dma_start3A_80 : memref<80x128xf32, #tpu.memory_space<hbm>>) target_semaphore(%run_scoped3A : memref<!tpu.dma_semaphore, #tpu.memory_space<semaphore_mem>>)
      %dma_wait3A = arith.constant 0 : i32
      %dma_wait3A_83 = tpu.memref_slice %arg5[%arg0, %add3A_58, %dma_wait3A] : memref<2x10240x128xf32, #tpu.memory_space<hbm>> -> memref<1x80x128xf32, #tpu.memory_space<hbm>>
      %dma_wait3A_84 = tpu.memref_squeeze %dma_wait3A_83 : memref<1x80x128xf32, #tpu.memory_space<hbm>> -> memref<80x128xf32, #tpu.memory_space<hbm>>
      %dma_wait3A_85 = arith.constant 0 : i32
      %dma_wait3A_86 = tpu.memref_slice %arg9[%add3A_58, %dma_wait3A_85] : memref<10240x128xf32, #tpu.memory_space<vmem_shared>> -> memref<80x128xf32, #tpu.memory_space<vmem_shared>>
      tpu.wait_dma2 semaphore(%run_scoped3A : memref<!tpu.dma_semaphore, #tpu.memory_space<semaphore_mem>>) src(%dma_wait3A_86 : memref<80x128xf32, #tpu.memory_space<vmem_shared>>) dst(%dma_wait3A_84 : memref<80x128xf32, #tpu.memory_space<hbm>>)
      tpu.yield
    }) : () -> ()
    %mul3A_59 = arith.constant 640 : i32
    %mul3A_60 = arith.muli %arg1, %mul3A_59 : i32
    %add3A_61 = arith.constant 240 : i32
    %add3A_62 = arith.addi %mul3A_60, %add3A_61 : i32
    "tpu.region"() ({
      %run_scoped3A = tpu.sem_alloc : memref<!tpu.dma_semaphore, #tpu.memory_space<semaphore_mem>>
      %dma_start3A = arith.constant 0 : i32
      %dma_start3A_79 = tpu.memref_slice %arg5[%arg0, %add3A_62, %dma_start3A] : memref<2x10240x128xf32, #tpu.memory_space<hbm>> -> memref<1x80x128xf32, #tpu.memory_space<hbm>>
      %dma_start3A_80 = tpu.memref_squeeze %dma_start3A_79 : memref<1x80x128xf32, #tpu.memory_space<hbm>> -> memref<80x128xf32, #tpu.memory_space<hbm>>
      %dma_start3A_81 = arith.constant 0 : i32
      %dma_start3A_82 = tpu.memref_slice %arg9[%add3A_62, %dma_start3A_81] : memref<10240x128xf32, #tpu.memory_space<vmem_shared>> -> memref<80x128xf32, #tpu.memory_space<vmem_shared>>
      tpu.enqueue_dma source(%dma_start3A_82 : memref<80x128xf32, #tpu.memory_space<vmem_shared>>) target(%dma_start3A_80 : memref<80x128xf32, #tpu.memory_space<hbm>>) target_semaphore(%run_scoped3A : memref<!tpu.dma_semaphore, #tpu.memory_space<semaphore_mem>>)
      %dma_wait3A = arith.constant 0 : i32
      %dma_wait3A_83 = tpu.memref_slice %arg5[%arg0, %add3A_62, %dma_wait3A] : memref<2x10240x128xf32, #tpu.memory_space<hbm>> -> memref<1x80x128xf32, #tpu.memory_space<hbm>>
      %dma_wait3A_84 = tpu.memref_squeeze %dma_wait3A_83 : memref<1x80x128xf32, #tpu.memory_space<hbm>> -> memref<80x128xf32, #tpu.memory_space<hbm>>
      %dma_wait3A_85 = arith.constant 0 : i32
      %dma_wait3A_86 = tpu.memref_slice %arg9[%add3A_62, %dma_wait3A_85] : memref<10240x128xf32, #tpu.memory_space<vmem_shared>> -> memref<80x128xf32, #tpu.memory_space<vmem_shared>>
      tpu.wait_dma2 semaphore(%run_scoped3A : memref<!tpu.dma_semaphore, #tpu.memory_space<semaphore_mem>>) src(%dma_wait3A_86 : memref<80x128xf32, #tpu.memory_space<vmem_shared>>) dst(%dma_wait3A_84 : memref<80x128xf32, #tpu.memory_space<hbm>>)
      tpu.yield
    }) : () -> ()
    %mul3A_63 = arith.constant 640 : i32
    %mul3A_64 = arith.muli %arg1, %mul3A_63 : i32
    %add3A_65 = arith.constant 320 : i32
    %add3A_66 = arith.addi %mul3A_64, %add3A_65 : i32
    "tpu.region"() ({
      %run_scoped3A = tpu.sem_alloc : memref<!tpu.dma_semaphore, #tpu.memory_space<semaphore_mem>>
      %dma_start3A = arith.constant 0 : i32
      %dma_start3A_79 = tpu.memref_slice %arg5[%arg0, %add3A_66, %dma_start3A] : memref<2x10240x128xf32, #tpu.memory_space<hbm>> -> memref<1x80x128xf32, #tpu.memory_space<hbm>>
      %dma_start3A_80 = tpu.memref_squeeze %dma_start3A_79 : memref<1x80x128xf32, #tpu.memory_space<hbm>> -> memref<80x128xf32, #tpu.memory_space<hbm>>
      %dma_start3A_81 = arith.constant 0 : i32
      %dma_start3A_82 = tpu.memref_slice %arg9[%add3A_66, %dma_start3A_81] : memref<10240x128xf32, #tpu.memory_space<vmem_shared>> -> memref<80x128xf32, #tpu.memory_space<vmem_shared>>
      tpu.enqueue_dma source(%dma_start3A_82 : memref<80x128xf32, #tpu.memory_space<vmem_shared>>) target(%dma_start3A_80 : memref<80x128xf32, #tpu.memory_space<hbm>>) target_semaphore(%run_scoped3A : memref<!tpu.dma_semaphore, #tpu.memory_space<semaphore_mem>>)
      %dma_wait3A = arith.constant 0 : i32
      %dma_wait3A_83 = tpu.memref_slice %arg5[%arg0, %add3A_66, %dma_wait3A] : memref<2x10240x128xf32, #tpu.memory_space<hbm>> -> memref<1x80x128xf32, #tpu.memory_space<hbm>>
      %dma_wait3A_84 = tpu.memref_squeeze %dma_wait3A_83 : memref<1x80x128xf32, #tpu.memory_space<hbm>> -> memref<80x128xf32, #tpu.memory_space<hbm>>
      %dma_wait3A_85 = arith.constant 0 : i32
      %dma_wait3A_86 = tpu.memref_slice %arg9[%add3A_66, %dma_wait3A_85] : memref<10240x128xf32, #tpu.memory_space<vmem_shared>> -> memref<80x128xf32, #tpu.memory_space<vmem_shared>>
      tpu.wait_dma2 semaphore(%run_scoped3A : memref<!tpu.dma_semaphore, #tpu.memory_space<semaphore_mem>>) src(%dma_wait3A_86 : memref<80x128xf32, #tpu.memory_space<vmem_shared>>) dst(%dma_wait3A_84 : memref<80x128xf32, #tpu.memory_space<hbm>>)
      tpu.yield
    }) : () -> ()
    %mul3A_67 = arith.constant 640 : i32
    %mul3A_68 = arith.muli %arg1, %mul3A_67 : i32
    %add3A_69 = arith.constant 400 : i32
    %add3A_70 = arith.addi %mul3A_68, %add3A_69 : i32
    "tpu.region"() ({
      %run_scoped3A = tpu.sem_alloc : memref<!tpu.dma_semaphore, #tpu.memory_space<semaphore_mem>>
      %dma_start3A = arith.constant 0 : i32
      %dma_start3A_79 = tpu.memref_slice %arg5[%arg0, %add3A_70, %dma_start3A] : memref<2x10240x128xf32, #tpu.memory_space<hbm>> -> memref<1x80x128xf32, #tpu.memory_space<hbm>>
      %dma_start3A_80 = tpu.memref_squeeze %dma_start3A_79 : memref<1x80x128xf32, #tpu.memory_space<hbm>> -> memref<80x128xf32, #tpu.memory_space<hbm>>
      %dma_start3A_81 = arith.constant 0 : i32
      %dma_start3A_82 = tpu.memref_slice %arg9[%add3A_70, %dma_start3A_81] : memref<10240x128xf32, #tpu.memory_space<vmem_shared>> -> memref<80x128xf32, #tpu.memory_space<vmem_shared>>
      tpu.enqueue_dma source(%dma_start3A_82 : memref<80x128xf32, #tpu.memory_space<vmem_shared>>) target(%dma_start3A_80 : memref<80x128xf32, #tpu.memory_space<hbm>>) target_semaphore(%run_scoped3A : memref<!tpu.dma_semaphore, #tpu.memory_space<semaphore_mem>>)
      %dma_wait3A = arith.constant 0 : i32
      %dma_wait3A_83 = tpu.memref_slice %arg5[%arg0, %add3A_70, %dma_wait3A] : memref<2x10240x128xf32, #tpu.memory_space<hbm>> -> memref<1x80x128xf32, #tpu.memory_space<hbm>>
      %dma_wait3A_84 = tpu.memref_squeeze %dma_wait3A_83 : memref<1x80x128xf32, #tpu.memory_space<hbm>> -> memref<80x128xf32, #tpu.memory_space<hbm>>
      %dma_wait3A_85 = arith.constant 0 : i32
      %dma_wait3A_86 = tpu.memref_slice %arg9[%add3A_70, %dma_wait3A_85] : memref<10240x128xf32, #tpu.memory_space<vmem_shared>> -> memref<80x128xf32, #tpu.memory_space<vmem_shared>>
      tpu.wait_dma2 semaphore(%run_scoped3A : memref<!tpu.dma_semaphore, #tpu.memory_space<semaphore_mem>>) src(%dma_wait3A_86 : memref<80x128xf32, #tpu.memory_space<vmem_shared>>) dst(%dma_wait3A_84 : memref<80x128xf32, #tpu.memory_space<hbm>>)
      tpu.yield
    }) : () -> ()
    %mul3A_71 = arith.constant 640 : i32
    %mul3A_72 = arith.muli %arg1, %mul3A_71 : i32
    %add3A_73 = arith.constant 480 : i32
    %add3A_74 = arith.addi %mul3A_72, %add3A_73 : i32
    "tpu.region"() ({
      %run_scoped3A = tpu.sem_alloc : memref<!tpu.dma_semaphore, #tpu.memory_space<semaphore_mem>>
      %dma_start3A = arith.constant 0 : i32
      %dma_start3A_79 = tpu.memref_slice %arg5[%arg0, %add3A_74, %dma_start3A] : memref<2x10240x128xf32, #tpu.memory_space<hbm>> -> memref<1x80x128xf32, #tpu.memory_space<hbm>>
      %dma_start3A_80 = tpu.memref_squeeze %dma_start3A_79 : memref<1x80x128xf32, #tpu.memory_space<hbm>> -> memref<80x128xf32, #tpu.memory_space<hbm>>
      %dma_start3A_81 = arith.constant 0 : i32
      %dma_start3A_82 = tpu.memref_slice %arg9[%add3A_74, %dma_start3A_81] : memref<10240x128xf32, #tpu.memory_space<vmem_shared>> -> memref<80x128xf32, #tpu.memory_space<vmem_shared>>
      tpu.enqueue_dma source(%dma_start3A_82 : memref<80x128xf32, #tpu.memory_space<vmem_shared>>) target(%dma_start3A_80 : memref<80x128xf32, #tpu.memory_space<hbm>>) target_semaphore(%run_scoped3A : memref<!tpu.dma_semaphore, #tpu.memory_space<semaphore_mem>>)
      %dma_wait3A = arith.constant 0 : i32
      %dma_wait3A_83 = tpu.memref_slice %arg5[%arg0, %add3A_74, %dma_wait3A] : memref<2x10240x128xf32, #tpu.memory_space<hbm>> -> memref<1x80x128xf32, #tpu.memory_space<hbm>>
      %dma_wait3A_84 = tpu.memref_squeeze %dma_wait3A_83 : memref<1x80x128xf32, #tpu.memory_space<hbm>> -> memref<80x128xf32, #tpu.memory_space<hbm>>
      %dma_wait3A_85 = arith.constant 0 : i32
      %dma_wait3A_86 = tpu.memref_slice %arg9[%add3A_74, %dma_wait3A_85] : memref<10240x128xf32, #tpu.memory_space<vmem_shared>> -> memref<80x128xf32, #tpu.memory_space<vmem_shared>>
      tpu.wait_dma2 semaphore(%run_scoped3A : memref<!tpu.dma_semaphore, #tpu.memory_space<semaphore_mem>>) src(%dma_wait3A_86 : memref<80x128xf32, #tpu.memory_space<vmem_shared>>) dst(%dma_wait3A_84 : memref<80x128xf32, #tpu.memory_space<hbm>>)
      tpu.yield
    }) : () -> ()
    %mul3A_75 = arith.constant 640 : i32
    %mul3A_76 = arith.muli %arg1, %mul3A_75 : i32
    %add3A_77 = arith.constant 560 : i32
    %add3A_78 = arith.addi %mul3A_76, %add3A_77 : i32
    "tpu.region"() ({
      %run_scoped3A = tpu.sem_alloc : memref<!tpu.dma_semaphore, #tpu.memory_space<semaphore_mem>>
      %dma_start3A = arith.constant 0 : i32
      %dma_start3A_79 = tpu.memref_slice %arg5[%arg0, %add3A_78, %dma_start3A] : memref<2x10240x128xf32, #tpu.memory_space<hbm>> -> memref<1x80x128xf32, #tpu.memory_space<hbm>>
      %dma_start3A_80 = tpu.memref_squeeze %dma_start3A_79 : memref<1x80x128xf32, #tpu.memory_space<hbm>> -> memref<80x128xf32, #tpu.memory_space<hbm>>
      %dma_start3A_81 = arith.constant 0 : i32
      %dma_start3A_82 = tpu.memref_slice %arg9[%add3A_78, %dma_start3A_81] : memref<10240x128xf32, #tpu.memory_space<vmem_shared>> -> memref<80x128xf32, #tpu.memory_space<vmem_shared>>
      tpu.enqueue_dma source(%dma_start3A_82 : memref<80x128xf32, #tpu.memory_space<vmem_shared>>) target(%dma_start3A_80 : memref<80x128xf32, #tpu.memory_space<hbm>>) target_semaphore(%run_scoped3A : memref<!tpu.dma_semaphore, #tpu.memory_space<semaphore_mem>>)
      %dma_wait3A = arith.constant 0 : i32
      %dma_wait3A_83 = tpu.memref_slice %arg5[%arg0, %add3A_78, %dma_wait3A] : memref<2x10240x128xf32, #tpu.memory_space<hbm>> -> memref<1x80x128xf32, #tpu.memory_space<hbm>>
      %dma_wait3A_84 = tpu.memref_squeeze %dma_wait3A_83 : memref<1x80x128xf32, #tpu.memory_space<hbm>> -> memref<80x128xf32, #tpu.memory_space<hbm>>
      %dma_wait3A_85 = arith.constant 0 : i32
      %dma_wait3A_86 = tpu.memref_slice %arg9[%add3A_78, %dma_wait3A_85] : memref<10240x128xf32, #tpu.memory_space<vmem_shared>> -> memref<80x128xf32, #tpu.memory_space<vmem_shared>>
      tpu.wait_dma2 semaphore(%run_scoped3A : memref<!tpu.dma_semaphore, #tpu.memory_space<semaphore_mem>>) src(%dma_wait3A_86 : memref<80x128xf32, #tpu.memory_space<vmem_shared>>) dst(%dma_wait3A_84 : memref<80x128xf32, #tpu.memory_space<hbm>>)
      tpu.yield
    }) : () -> ()
    return
  }
}

#map = affine_map<(d0, d1) -> (0, 0)>
#map1 = affine_map<(d0, d1) -> (0)>
#map2 = affine_map<(d0, d1) -> (0, 0, 0)>
module attributes {stable_mosaic.version = 14 : i64} {
  func.func @seg(%arg0: i32, %arg1: i32, %arg2: memref<10240x64xf32, #tpu.memory_space<hbm>>, %arg3: memref<320000xi32, #tpu.memory_space<hbm>>, %arg4: memref<320000xi32, #tpu.memory_space<hbm>>, %arg5: memref<2x10240x64xf32, #tpu.memory_space<hbm>>, %arg6: memref<80xi32, #tpu.memory_space<vmem>>, %arg7: memref<80xi32, #tpu.memory_space<vmem>>, %arg8: memref<80x64xf32, #tpu.memory_space<vmem>>, %arg9: memref<10240x64xf32, #tpu.memory_space<vmem_shared>>, %arg10: memref<!tpu.dma_semaphore, #tpu.memory_space<semaphore_mem>>) attributes {dimension_semantics = [#tpu.dimension_semantics<core_parallel>, #tpu.dimension_semantics<subcore_parallel>], iteration_bounds = array<i64: 2, 16>, scalar_prefetch = 0 : i64, scratch_operands = 5 : i64, tpu.core_type = #tpu.core_type<sc_vector_subcore>, window_params = [{transform_indices = #map}, {transform_indices = #map1}, {transform_indices = #map1}, {transform_indices = #map2}]} {
    %scan3A = arith.constant 0 : i32
    %scan3A_0 = arith.constant 0 : i32
    %scan3A_1 = arith.constant 320 : i32
    %scan3A_2 = arith.addi %scan3A_0, %scan3A_1 : i32
    %scan3A_3 = arith.constant 1 : i32
    scf.for %scan3A_79 = %scan3A_0 to %scan3A_2 step %scan3A_3  : i32 {
      %jit3A = arith.constant 4 : i32
      %div3A = arith.divsi %scan3A_79, %jit3A : i32
      %sign3A = arith.constant 0 : i32
      %sign3A_80 = arith.cmpi sgt, %scan3A_79, %sign3A : i32
      %sign3A_81 = arith.extui %sign3A_80 : i1 to i32
      %sign3A_82 = arith.constant 0 : i32
      %sign3A_83 = arith.cmpi slt, %scan3A_79, %sign3A_82 : i32
      %sign3A_84 = arith.extui %sign3A_83 : i1 to i32
      %sign3A_85 = arith.subi %sign3A_81, %sign3A_84 : i32
      %sign3A_86 = arith.constant 0 : i32
      %sign3A_87 = arith.cmpi sgt, %jit3A, %sign3A_86 : i32
      %sign3A_88 = arith.extui %sign3A_87 : i1 to i32
      %sign3A_89 = arith.constant 0 : i32
      %sign3A_90 = arith.cmpi slt, %jit3A, %sign3A_89 : i32
      %sign3A_91 = arith.extui %sign3A_90 : i1 to i32
      %sign3A_92 = arith.subi %sign3A_88, %sign3A_91 : i32
      %ne3A = arith.cmpi ne, %sign3A_85, %sign3A_92 : i32
      %rem3A = arith.remsi %scan3A_79, %jit3A : i32
      %ne3A_93 = arith.constant 0 : i32
      %ne3A_94 = arith.cmpi ne, %rem3A, %ne3A_93 : i32
      %and3A = arith.andi %ne3A, %ne3A_94 : i1
      %sub3A = arith.constant 1 : i32
      %sub3A_95 = arith.subi %div3A, %sub3A : i32
      %select_n3A = arith.select %and3A, %sub3A_95, %div3A : i32
      %jit3A_96 = arith.constant 4 : i32
      %eq3A = arith.constant 0 : i32
      %eq3A_97 = arith.cmpi eq, %jit3A_96, %eq3A : i32
      %jit3A_98 = arith.constant 1 : i32
      %select_n3A_99 = arith.select %eq3A_97, %jit3A_98, %jit3A_96 : i32
      %rem3A_100 = arith.remsi %scan3A_79, %select_n3A_99 : i32
      %ne3A_101 = arith.constant 0 : i32
      %ne3A_102 = arith.cmpi ne, %rem3A_100, %ne3A_101 : i32
      %lt3A = arith.constant 0 : i32
      %lt3A_103 = arith.cmpi slt, %rem3A_100, %lt3A : i32
      %lt3A_104 = arith.constant 0 : i32
      %lt3A_105 = arith.cmpi slt, %select_n3A_99, %lt3A_104 : i32
      %ne3A_106 = arith.xori %lt3A_103, %lt3A_105 : i1
      %and3A_107 = arith.andi %ne3A_106, %ne3A_102 : i1
      %add3A_108 = arith.addi %rem3A_100, %select_n3A_99 : i32
      %select_n3A_109 = arith.select %and3A_107, %add3A_108, %rem3A_100 : i32
      %mul3A_110 = arith.constant 16 : i32
      %mul3A_111 = arith.muli %select_n3A_109, %mul3A_110 : i32
      %broadcast_in_dim3A = arith.constant 0.000000e+00 : f32
      %broadcast_in_dim3A_112 = vector.broadcast %broadcast_in_dim3A : f32 to vector<16xf32>
      %swap3A = arith.index_cast %select_n3A : i32 to index
      %swap3A_113 = arith.index_cast %mul3A_111 : i32 to index
      %swap3A_114 = tpu.vector_load %arg8[%swap3A, %swap3A_113] {strides = array<i32>} : memref<80x64xf32, #tpu.memory_space<vmem>>, vector<1x16xf32>,
      %swap3A_115 = vector.shape_cast %swap3A_114 : vector<1x16xf32> to vector<16xf32>
      %swap3A_116 = vector.shape_cast %broadcast_in_dim3A_112 : vector<16xf32> to vector<1x16xf32>
      tpu.vector_store %arg8[%swap3A, %swap3A_113], %swap3A_116 {strides = array<i32>} : memref<80x64xf32, #tpu.memory_space<vmem>>, vector<1x16xf32>,
    }
    %scan3A_4 = arith.constant 320 : i32
    %mul3A = arith.constant 640 : i32
    %mul3A_5 = arith.muli %arg1, %mul3A : i32
    %add3A = arith.constant 0 : i32
    %add3A_6 = arith.addi %mul3A_5, %add3A : i32
    "tpu.region"() ({
      %run_scoped3A = tpu.sem_alloc : memref<!tpu.dma_semaphore, #tpu.memory_space<semaphore_mem>>
      %dma_start3A = arith.constant 0 : i32
      %dma_start3A_79 = tpu.memref_slice %arg9[%add3A_6, %dma_start3A] : memref<10240x64xf32, #tpu.memory_space<vmem_shared>> -> memref<80x64xf32, #tpu.memory_space<vmem_shared>>
      %dma_start3A_80 = arith.constant 0 : i32
      %dma_start3A_81 = tpu.memref_slice %arg9[%add3A_6, %dma_start3A_80] : memref<10240x64xf32, #tpu.memory_space<vmem_shared>> -> memref<80x64xf32, #tpu.memory_space<vmem_shared>>
      tpu.enqueue_dma source(%arg8 : memref<80x64xf32, #tpu.memory_space<vmem>>) target(%dma_start3A_81 : memref<80x64xf32, #tpu.memory_space<vmem_shared>>) target_semaphore(%run_scoped3A : memref<!tpu.dma_semaphore, #tpu.memory_space<semaphore_mem>>)
      %dma_wait3A = arith.constant 0 : i32
      %dma_wait3A_82 = tpu.memref_slice %arg9[%add3A_6, %dma_wait3A] : memref<10240x64xf32, #tpu.memory_space<vmem_shared>> -> memref<80x64xf32, #tpu.memory_space<vmem_shared>>
      %dma_wait3A_83 = arith.constant 0 : i32
      %dma_wait3A_84 = tpu.memref_slice %arg9[%add3A_6, %dma_wait3A_83] : memref<10240x64xf32, #tpu.memory_space<vmem_shared>> -> memref<80x64xf32, #tpu.memory_space<vmem_shared>>
      tpu.wait_dma2 semaphore(%run_scoped3A : memref<!tpu.dma_semaphore, #tpu.memory_space<semaphore_mem>>) src(%arg8 : memref<80x64xf32, #tpu.memory_space<vmem>>) dst(%dma_wait3A_84 : memref<80x64xf32, #tpu.memory_space<vmem_shared>>)
      tpu.yield
    }) : () -> ()
    %mul3A_7 = arith.constant 640 : i32
    %mul3A_8 = arith.muli %arg1, %mul3A_7 : i32
    %add3A_9 = arith.constant 80 : i32
    %add3A_10 = arith.addi %mul3A_8, %add3A_9 : i32
    "tpu.region"() ({
      %run_scoped3A = tpu.sem_alloc : memref<!tpu.dma_semaphore, #tpu.memory_space<semaphore_mem>>
      %dma_start3A = arith.constant 0 : i32
      %dma_start3A_79 = tpu.memref_slice %arg9[%add3A_10, %dma_start3A] : memref<10240x64xf32, #tpu.memory_space<vmem_shared>> -> memref<80x64xf32, #tpu.memory_space<vmem_shared>>
      %dma_start3A_80 = arith.constant 0 : i32
      %dma_start3A_81 = tpu.memref_slice %arg9[%add3A_10, %dma_start3A_80] : memref<10240x64xf32, #tpu.memory_space<vmem_shared>> -> memref<80x64xf32, #tpu.memory_space<vmem_shared>>
      tpu.enqueue_dma source(%arg8 : memref<80x64xf32, #tpu.memory_space<vmem>>) target(%dma_start3A_81 : memref<80x64xf32, #tpu.memory_space<vmem_shared>>) target_semaphore(%run_scoped3A : memref<!tpu.dma_semaphore, #tpu.memory_space<semaphore_mem>>)
      %dma_wait3A = arith.constant 0 : i32
      %dma_wait3A_82 = tpu.memref_slice %arg9[%add3A_10, %dma_wait3A] : memref<10240x64xf32, #tpu.memory_space<vmem_shared>> -> memref<80x64xf32, #tpu.memory_space<vmem_shared>>
      %dma_wait3A_83 = arith.constant 0 : i32
      %dma_wait3A_84 = tpu.memref_slice %arg9[%add3A_10, %dma_wait3A_83] : memref<10240x64xf32, #tpu.memory_space<vmem_shared>> -> memref<80x64xf32, #tpu.memory_space<vmem_shared>>
      tpu.wait_dma2 semaphore(%run_scoped3A : memref<!tpu.dma_semaphore, #tpu.memory_space<semaphore_mem>>) src(%arg8 : memref<80x64xf32, #tpu.memory_space<vmem>>) dst(%dma_wait3A_84 : memref<80x64xf32, #tpu.memory_space<vmem_shared>>)
      tpu.yield
    }) : () -> ()
    %mul3A_11 = arith.constant 640 : i32
    %mul3A_12 = arith.muli %arg1, %mul3A_11 : i32
    %add3A_13 = arith.constant 160 : i32
    %add3A_14 = arith.addi %mul3A_12, %add3A_13 : i32
    "tpu.region"() ({
      %run_scoped3A = tpu.sem_alloc : memref<!tpu.dma_semaphore, #tpu.memory_space<semaphore_mem>>
      %dma_start3A = arith.constant 0 : i32
      %dma_start3A_79 = tpu.memref_slice %arg9[%add3A_14, %dma_start3A] : memref<10240x64xf32, #tpu.memory_space<vmem_shared>> -> memref<80x64xf32, #tpu.memory_space<vmem_shared>>
      %dma_start3A_80 = arith.constant 0 : i32
      %dma_start3A_81 = tpu.memref_slice %arg9[%add3A_14, %dma_start3A_80] : memref<10240x64xf32, #tpu.memory_space<vmem_shared>> -> memref<80x64xf32, #tpu.memory_space<vmem_shared>>
      tpu.enqueue_dma source(%arg8 : memref<80x64xf32, #tpu.memory_space<vmem>>) target(%dma_start3A_81 : memref<80x64xf32, #tpu.memory_space<vmem_shared>>) target_semaphore(%run_scoped3A : memref<!tpu.dma_semaphore, #tpu.memory_space<semaphore_mem>>)
      %dma_wait3A = arith.constant 0 : i32
      %dma_wait3A_82 = tpu.memref_slice %arg9[%add3A_14, %dma_wait3A] : memref<10240x64xf32, #tpu.memory_space<vmem_shared>> -> memref<80x64xf32, #tpu.memory_space<vmem_shared>>
      %dma_wait3A_83 = arith.constant 0 : i32
      %dma_wait3A_84 = tpu.memref_slice %arg9[%add3A_14, %dma_wait3A_83] : memref<10240x64xf32, #tpu.memory_space<vmem_shared>> -> memref<80x64xf32, #tpu.memory_space<vmem_shared>>
      tpu.wait_dma2 semaphore(%run_scoped3A : memref<!tpu.dma_semaphore, #tpu.memory_space<semaphore_mem>>) src(%arg8 : memref<80x64xf32, #tpu.memory_space<vmem>>) dst(%dma_wait3A_84 : memref<80x64xf32, #tpu.memory_space<vmem_shared>>)
      tpu.yield
    }) : () -> ()
    %mul3A_15 = arith.constant 640 : i32
    %mul3A_16 = arith.muli %arg1, %mul3A_15 : i32
    %add3A_17 = arith.constant 240 : i32
    %add3A_18 = arith.addi %mul3A_16, %add3A_17 : i32
    "tpu.region"() ({
      %run_scoped3A = tpu.sem_alloc : memref<!tpu.dma_semaphore, #tpu.memory_space<semaphore_mem>>
      %dma_start3A = arith.constant 0 : i32
      %dma_start3A_79 = tpu.memref_slice %arg9[%add3A_18, %dma_start3A] : memref<10240x64xf32, #tpu.memory_space<vmem_shared>> -> memref<80x64xf32, #tpu.memory_space<vmem_shared>>
      %dma_start3A_80 = arith.constant 0 : i32
      %dma_start3A_81 = tpu.memref_slice %arg9[%add3A_18, %dma_start3A_80] : memref<10240x64xf32, #tpu.memory_space<vmem_shared>> -> memref<80x64xf32, #tpu.memory_space<vmem_shared>>
      tpu.enqueue_dma source(%arg8 : memref<80x64xf32, #tpu.memory_space<vmem>>) target(%dma_start3A_81 : memref<80x64xf32, #tpu.memory_space<vmem_shared>>) target_semaphore(%run_scoped3A : memref<!tpu.dma_semaphore, #tpu.memory_space<semaphore_mem>>)
      %dma_wait3A = arith.constant 0 : i32
      %dma_wait3A_82 = tpu.memref_slice %arg9[%add3A_18, %dma_wait3A] : memref<10240x64xf32, #tpu.memory_space<vmem_shared>> -> memref<80x64xf32, #tpu.memory_space<vmem_shared>>
      %dma_wait3A_83 = arith.constant 0 : i32
      %dma_wait3A_84 = tpu.memref_slice %arg9[%add3A_18, %dma_wait3A_83] : memref<10240x64xf32, #tpu.memory_space<vmem_shared>> -> memref<80x64xf32, #tpu.memory_space<vmem_shared>>
      tpu.wait_dma2 semaphore(%run_scoped3A : memref<!tpu.dma_semaphore, #tpu.memory_space<semaphore_mem>>) src(%arg8 : memref<80x64xf32, #tpu.memory_space<vmem>>) dst(%dma_wait3A_84 : memref<80x64xf32, #tpu.memory_space<vmem_shared>>)
      tpu.yield
    }) : () -> ()
    %mul3A_19 = arith.constant 640 : i32
    %mul3A_20 = arith.muli %arg1, %mul3A_19 : i32
    %add3A_21 = arith.constant 320 : i32
    %add3A_22 = arith.addi %mul3A_20, %add3A_21 : i32
    "tpu.region"() ({
      %run_scoped3A = tpu.sem_alloc : memref<!tpu.dma_semaphore, #tpu.memory_space<semaphore_mem>>
      %dma_start3A = arith.constant 0 : i32
      %dma_start3A_79 = tpu.memref_slice %arg9[%add3A_22, %dma_start3A] : memref<10240x64xf32, #tpu.memory_space<vmem_shared>> -> memref<80x64xf32, #tpu.memory_space<vmem_shared>>
      %dma_start3A_80 = arith.constant 0 : i32
      %dma_start3A_81 = tpu.memref_slice %arg9[%add3A_22, %dma_start3A_80] : memref<10240x64xf32, #tpu.memory_space<vmem_shared>> -> memref<80x64xf32, #tpu.memory_space<vmem_shared>>
      tpu.enqueue_dma source(%arg8 : memref<80x64xf32, #tpu.memory_space<vmem>>) target(%dma_start3A_81 : memref<80x64xf32, #tpu.memory_space<vmem_shared>>) target_semaphore(%run_scoped3A : memref<!tpu.dma_semaphore, #tpu.memory_space<semaphore_mem>>)
      %dma_wait3A = arith.constant 0 : i32
      %dma_wait3A_82 = tpu.memref_slice %arg9[%add3A_22, %dma_wait3A] : memref<10240x64xf32, #tpu.memory_space<vmem_shared>> -> memref<80x64xf32, #tpu.memory_space<vmem_shared>>
      %dma_wait3A_83 = arith.constant 0 : i32
      %dma_wait3A_84 = tpu.memref_slice %arg9[%add3A_22, %dma_wait3A_83] : memref<10240x64xf32, #tpu.memory_space<vmem_shared>> -> memref<80x64xf32, #tpu.memory_space<vmem_shared>>
      tpu.wait_dma2 semaphore(%run_scoped3A : memref<!tpu.dma_semaphore, #tpu.memory_space<semaphore_mem>>) src(%arg8 : memref<80x64xf32, #tpu.memory_space<vmem>>) dst(%dma_wait3A_84 : memref<80x64xf32, #tpu.memory_space<vmem_shared>>)
      tpu.yield
    }) : () -> ()
    %mul3A_23 = arith.constant 640 : i32
    %mul3A_24 = arith.muli %arg1, %mul3A_23 : i32
    %add3A_25 = arith.constant 400 : i32
    %add3A_26 = arith.addi %mul3A_24, %add3A_25 : i32
    "tpu.region"() ({
      %run_scoped3A = tpu.sem_alloc : memref<!tpu.dma_semaphore, #tpu.memory_space<semaphore_mem>>
      %dma_start3A = arith.constant 0 : i32
      %dma_start3A_79 = tpu.memref_slice %arg9[%add3A_26, %dma_start3A] : memref<10240x64xf32, #tpu.memory_space<vmem_shared>> -> memref<80x64xf32, #tpu.memory_space<vmem_shared>>
      %dma_start3A_80 = arith.constant 0 : i32
      %dma_start3A_81 = tpu.memref_slice %arg9[%add3A_26, %dma_start3A_80] : memref<10240x64xf32, #tpu.memory_space<vmem_shared>> -> memref<80x64xf32, #tpu.memory_space<vmem_shared>>
      tpu.enqueue_dma source(%arg8 : memref<80x64xf32, #tpu.memory_space<vmem>>) target(%dma_start3A_81 : memref<80x64xf32, #tpu.memory_space<vmem_shared>>) target_semaphore(%run_scoped3A : memref<!tpu.dma_semaphore, #tpu.memory_space<semaphore_mem>>)
      %dma_wait3A = arith.constant 0 : i32
      %dma_wait3A_82 = tpu.memref_slice %arg9[%add3A_26, %dma_wait3A] : memref<10240x64xf32, #tpu.memory_space<vmem_shared>> -> memref<80x64xf32, #tpu.memory_space<vmem_shared>>
      %dma_wait3A_83 = arith.constant 0 : i32
      %dma_wait3A_84 = tpu.memref_slice %arg9[%add3A_26, %dma_wait3A_83] : memref<10240x64xf32, #tpu.memory_space<vmem_shared>> -> memref<80x64xf32, #tpu.memory_space<vmem_shared>>
      tpu.wait_dma2 semaphore(%run_scoped3A : memref<!tpu.dma_semaphore, #tpu.memory_space<semaphore_mem>>) src(%arg8 : memref<80x64xf32, #tpu.memory_space<vmem>>) dst(%dma_wait3A_84 : memref<80x64xf32, #tpu.memory_space<vmem_shared>>)
      tpu.yield
    }) : () -> ()
    %mul3A_27 = arith.constant 640 : i32
    %mul3A_28 = arith.muli %arg1, %mul3A_27 : i32
    %add3A_29 = arith.constant 480 : i32
    %add3A_30 = arith.addi %mul3A_28, %add3A_29 : i32
    "tpu.region"() ({
      %run_scoped3A = tpu.sem_alloc : memref<!tpu.dma_semaphore, #tpu.memory_space<semaphore_mem>>
      %dma_start3A = arith.constant 0 : i32
      %dma_start3A_79 = tpu.memref_slice %arg9[%add3A_30, %dma_start3A] : memref<10240x64xf32, #tpu.memory_space<vmem_shared>> -> memref<80x64xf32, #tpu.memory_space<vmem_shared>>
      %dma_start3A_80 = arith.constant 0 : i32
      %dma_start3A_81 = tpu.memref_slice %arg9[%add3A_30, %dma_start3A_80] : memref<10240x64xf32, #tpu.memory_space<vmem_shared>> -> memref<80x64xf32, #tpu.memory_space<vmem_shared>>
      tpu.enqueue_dma source(%arg8 : memref<80x64xf32, #tpu.memory_space<vmem>>) target(%dma_start3A_81 : memref<80x64xf32, #tpu.memory_space<vmem_shared>>) target_semaphore(%run_scoped3A : memref<!tpu.dma_semaphore, #tpu.memory_space<semaphore_mem>>)
      %dma_wait3A = arith.constant 0 : i32
      %dma_wait3A_82 = tpu.memref_slice %arg9[%add3A_30, %dma_wait3A] : memref<10240x64xf32, #tpu.memory_space<vmem_shared>> -> memref<80x64xf32, #tpu.memory_space<vmem_shared>>
      %dma_wait3A_83 = arith.constant 0 : i32
      %dma_wait3A_84 = tpu.memref_slice %arg9[%add3A_30, %dma_wait3A_83] : memref<10240x64xf32, #tpu.memory_space<vmem_shared>> -> memref<80x64xf32, #tpu.memory_space<vmem_shared>>
      tpu.wait_dma2 semaphore(%run_scoped3A : memref<!tpu.dma_semaphore, #tpu.memory_space<semaphore_mem>>) src(%arg8 : memref<80x64xf32, #tpu.memory_space<vmem>>) dst(%dma_wait3A_84 : memref<80x64xf32, #tpu.memory_space<vmem_shared>>)
      tpu.yield
    }) : () -> ()
    %mul3A_31 = arith.constant 640 : i32
    %mul3A_32 = arith.muli %arg1, %mul3A_31 : i32
    %add3A_33 = arith.constant 560 : i32
    %add3A_34 = arith.addi %mul3A_32, %add3A_33 : i32
    "tpu.region"() ({
      %run_scoped3A = tpu.sem_alloc : memref<!tpu.dma_semaphore, #tpu.memory_space<semaphore_mem>>
      %dma_start3A = arith.constant 0 : i32
      %dma_start3A_79 = tpu.memref_slice %arg9[%add3A_34, %dma_start3A] : memref<10240x64xf32, #tpu.memory_space<vmem_shared>> -> memref<80x64xf32, #tpu.memory_space<vmem_shared>>
      %dma_start3A_80 = arith.constant 0 : i32
      %dma_start3A_81 = tpu.memref_slice %arg9[%add3A_34, %dma_start3A_80] : memref<10240x64xf32, #tpu.memory_space<vmem_shared>> -> memref<80x64xf32, #tpu.memory_space<vmem_shared>>
      tpu.enqueue_dma source(%arg8 : memref<80x64xf32, #tpu.memory_space<vmem>>) target(%dma_start3A_81 : memref<80x64xf32, #tpu.memory_space<vmem_shared>>) target_semaphore(%run_scoped3A : memref<!tpu.dma_semaphore, #tpu.memory_space<semaphore_mem>>)
      %dma_wait3A = arith.constant 0 : i32
      %dma_wait3A_82 = tpu.memref_slice %arg9[%add3A_34, %dma_wait3A] : memref<10240x64xf32, #tpu.memory_space<vmem_shared>> -> memref<80x64xf32, #tpu.memory_space<vmem_shared>>
      %dma_wait3A_83 = arith.constant 0 : i32
      %dma_wait3A_84 = tpu.memref_slice %arg9[%add3A_34, %dma_wait3A_83] : memref<10240x64xf32, #tpu.memory_space<vmem_shared>> -> memref<80x64xf32, #tpu.memory_space<vmem_shared>>
      tpu.wait_dma2 semaphore(%run_scoped3A : memref<!tpu.dma_semaphore, #tpu.memory_space<semaphore_mem>>) src(%arg8 : memref<80x64xf32, #tpu.memory_space<vmem>>) dst(%dma_wait3A_84 : memref<80x64xf32, #tpu.memory_space<vmem_shared>>)
      tpu.yield
    }) : () -> ()
    %barrier3A = arith.constant 0 : index
    tpu.barrier barrier_id(%barrier3A)
    %mul3A_35 = arith.constant 160000 : i32
    %mul3A_36 = arith.muli %arg0, %mul3A_35 : i32
    %mul3A_37 = arith.constant 10000 : i32
    %mul3A_38 = arith.muli %arg1, %mul3A_37 : i32
    %add3A_39 = arith.addi %mul3A_36, %mul3A_38 : i32
    %scan3A_40 = arith.constant 0 : i32
    %scan3A_41 = arith.constant 0 : i32
    %scan3A_42 = arith.constant 125 : i32
    %scan3A_43 = arith.addi %scan3A_41, %scan3A_42 : i32
    %scan3A_44 = arith.constant 1 : i32
    scf.for %scan3A_79 = %scan3A_41 to %scan3A_43 step %scan3A_44  : i32 {
      %mul3A_80 = arith.constant 80 : i32
      %mul3A_81 = arith.muli %scan3A_79, %mul3A_80 : i32
      %add3A_82 = arith.addi %add3A_39, %mul3A_81 : i32
      %multiple_of3A = tpu.assume_multiple %add3A_82, 8 : i32
      "tpu.region"() ({
        %run_scoped3A = tpu.sem_alloc : memref<!tpu.dma_semaphore, #tpu.memory_space<semaphore_mem>>
        %dma_start3A_87 = tpu.memref_slice %arg3[%multiple_of3A] : memref<320000xi32, #tpu.memory_space<hbm>> -> memref<80xi32, #tpu.memory_space<hbm>>
        %dma_start3A_88 = tpu.memref_slice %arg3[%multiple_of3A] : memref<320000xi32, #tpu.memory_space<hbm>> -> memref<80xi32, #tpu.memory_space<hbm>>
        tpu.enqueue_dma source(%dma_start3A_88 : memref<80xi32, #tpu.memory_space<hbm>>) target(%arg6 : memref<80xi32, #tpu.memory_space<vmem>>) target_semaphore(%run_scoped3A : memref<!tpu.dma_semaphore, #tpu.memory_space<semaphore_mem>>)
        %dma_wait3A_89 = tpu.memref_slice %arg3[%multiple_of3A] : memref<320000xi32, #tpu.memory_space<hbm>> -> memref<80xi32, #tpu.memory_space<hbm>>
        %dma_wait3A_90 = tpu.memref_slice %arg3[%multiple_of3A] : memref<320000xi32, #tpu.memory_space<hbm>> -> memref<80xi32, #tpu.memory_space<hbm>>
        tpu.wait_dma2 semaphore(%run_scoped3A : memref<!tpu.dma_semaphore, #tpu.memory_space<semaphore_mem>>) src(%dma_wait3A_90 : memref<80xi32, #tpu.memory_space<hbm>>) dst(%arg6 : memref<80xi32, #tpu.memory_space<vmem>>)
        tpu.yield
      }) : () -> ()
      "tpu.region"() ({
        %run_scoped3A = tpu.sem_alloc : memref<!tpu.dma_semaphore, #tpu.memory_space<semaphore_mem>>
        %dma_start3A_87 = tpu.memref_slice %arg4[%multiple_of3A] : memref<320000xi32, #tpu.memory_space<hbm>> -> memref<80xi32, #tpu.memory_space<hbm>>
        %dma_start3A_88 = tpu.memref_slice %arg4[%multiple_of3A] : memref<320000xi32, #tpu.memory_space<hbm>> -> memref<80xi32, #tpu.memory_space<hbm>>
        tpu.enqueue_dma source(%dma_start3A_88 : memref<80xi32, #tpu.memory_space<hbm>>) target(%arg7 : memref<80xi32, #tpu.memory_space<vmem>>) target_semaphore(%run_scoped3A : memref<!tpu.dma_semaphore, #tpu.memory_space<semaphore_mem>>)
        %dma_wait3A_89 = tpu.memref_slice %arg4[%multiple_of3A] : memref<320000xi32, #tpu.memory_space<hbm>> -> memref<80xi32, #tpu.memory_space<hbm>>
        %dma_wait3A_90 = tpu.memref_slice %arg4[%multiple_of3A] : memref<320000xi32, #tpu.memory_space<hbm>> -> memref<80xi32, #tpu.memory_space<hbm>>
        tpu.wait_dma2 semaphore(%run_scoped3A : memref<!tpu.dma_semaphore, #tpu.memory_space<semaphore_mem>>) src(%dma_wait3A_90 : memref<80xi32, #tpu.memory_space<hbm>>) dst(%arg7 : memref<80xi32, #tpu.memory_space<vmem>>)
        tpu.yield
      }) : () -> ()
      %dma_start3A = arith.constant 0 : i32
      %dma_start3A_83 = arith.constant 0 : i32
      %dma_start3A_84 = tpu.memref_slice %arg2[%dma_start3A, %dma_start3A_83] : memref<10240x64xf32, #tpu.memory_space<hbm>> -> memref<10240x64xf32, #tpu.memory_space<hbm>>
      tpu.enqueue_indirect_dma source(%dma_start3A_84 : memref<10240x64xf32, #tpu.memory_space<hbm>>) target(%arg8 : memref<80x64xf32, #tpu.memory_space<vmem>>) offsets(%arg6 : memref<80xi32, #tpu.memory_space<vmem>>) semaphore(%arg10 : memref<!tpu.dma_semaphore, #tpu.memory_space<semaphore_mem>>)
      %dma_wait3A = arith.constant 0 : i32
      %dma_wait3A_85 = arith.constant 0 : i32
      %dma_wait3A_86 = tpu.memref_slice %arg2[%dma_wait3A, %dma_wait3A_85] : memref<10240x64xf32, #tpu.memory_space<hbm>> -> memref<10240x64xf32, #tpu.memory_space<hbm>>
      tpu.wait_indirect_dma semaphore(%arg10 : memref<!tpu.dma_semaphore, #tpu.memory_space<semaphore_mem>>) src(%dma_wait3A_86 : memref<10240x64xf32, #tpu.memory_space<hbm>>) dst(%arg8 : memref<80x64xf32, #tpu.memory_space<vmem>>)
      "tpu.region"() ({
        %run_scoped3A = tpu.sem_alloc : memref<!tpu.dma_semaphore, #tpu.memory_space<semaphore_mem>>
        %dma_start3A_87 = arith.constant 0 : i32
        %dma_start3A_88 = arith.constant 0 : i32
        %dma_start3A_89 = tpu.memref_slice %arg9[%dma_start3A_87, %dma_start3A_88] : memref<10240x64xf32, #tpu.memory_space<vmem_shared>> -> memref<10240x64xf32, #tpu.memory_space<vmem_shared>>
        tpu.enqueue_indirect_dma source(%arg8 : memref<80x64xf32, #tpu.memory_space<vmem>>) target(%dma_start3A_89 : memref<10240x64xf32, #tpu.memory_space<vmem_shared>>) offsets(%arg7 : memref<80xi32, #tpu.memory_space<vmem>>) semaphore(%run_scoped3A : memref<!tpu.dma_semaphore, #tpu.memory_space<semaphore_mem>>) {add = true}
        %dma_wait3A_90 = arith.constant 0 : i32
        %dma_wait3A_91 = arith.constant 0 : i32
        %dma_wait3A_92 = tpu.memref_slice %arg9[%dma_wait3A_90, %dma_wait3A_91] : memref<10240x64xf32, #tpu.memory_space<vmem_shared>> -> memref<10240x64xf32, #tpu.memory_space<vmem_shared>>
        tpu.wait_indirect_dma semaphore(%run_scoped3A : memref<!tpu.dma_semaphore, #tpu.memory_space<semaphore_mem>>) src(%arg8 : memref<80x64xf32, #tpu.memory_space<vmem>>) dst(%dma_wait3A_92 : memref<10240x64xf32, #tpu.memory_space<vmem_shared>>)
        tpu.yield
      }) : () -> ()
    }
    %scan3A_45 = arith.constant 125 : i32
    %barrier3A_46 = arith.constant 0 : index
    tpu.barrier barrier_id(%barrier3A_46)
    %mul3A_47 = arith.constant 640 : i32
    %mul3A_48 = arith.muli %arg1, %mul3A_47 : i32
    %add3A_49 = arith.constant 0 : i32
    %add3A_50 = arith.addi %mul3A_48, %add3A_49 : i32
    "tpu.region"() ({
      %run_scoped3A = tpu.sem_alloc : memref<!tpu.dma_semaphore, #tpu.memory_space<semaphore_mem>>
      %dma_start3A = arith.constant 0 : i32
      %dma_start3A_79 = tpu.memref_slice %arg5[%arg0, %add3A_50, %dma_start3A] : memref<2x10240x64xf32, #tpu.memory_space<hbm>> -> memref<1x80x64xf32, #tpu.memory_space<hbm>>
      %dma_start3A_80 = tpu.memref_squeeze %dma_start3A_79 : memref<1x80x64xf32, #tpu.memory_space<hbm>> -> memref<80x64xf32, #tpu.memory_space<hbm>>
      %dma_start3A_81 = arith.constant 0 : i32
      %dma_start3A_82 = tpu.memref_slice %arg9[%add3A_50, %dma_start3A_81] : memref<10240x64xf32, #tpu.memory_space<vmem_shared>> -> memref<80x64xf32, #tpu.memory_space<vmem_shared>>
      tpu.enqueue_dma source(%dma_start3A_82 : memref<80x64xf32, #tpu.memory_space<vmem_shared>>) target(%dma_start3A_80 : memref<80x64xf32, #tpu.memory_space<hbm>>) target_semaphore(%run_scoped3A : memref<!tpu.dma_semaphore, #tpu.memory_space<semaphore_mem>>)
      %dma_wait3A = arith.constant 0 : i32
      %dma_wait3A_83 = tpu.memref_slice %arg5[%arg0, %add3A_50, %dma_wait3A] : memref<2x10240x64xf32, #tpu.memory_space<hbm>> -> memref<1x80x64xf32, #tpu.memory_space<hbm>>
      %dma_wait3A_84 = tpu.memref_squeeze %dma_wait3A_83 : memref<1x80x64xf32, #tpu.memory_space<hbm>> -> memref<80x64xf32, #tpu.memory_space<hbm>>
      %dma_wait3A_85 = arith.constant 0 : i32
      %dma_wait3A_86 = tpu.memref_slice %arg9[%add3A_50, %dma_wait3A_85] : memref<10240x64xf32, #tpu.memory_space<vmem_shared>> -> memref<80x64xf32, #tpu.memory_space<vmem_shared>>
      tpu.wait_dma2 semaphore(%run_scoped3A : memref<!tpu.dma_semaphore, #tpu.memory_space<semaphore_mem>>) src(%dma_wait3A_86 : memref<80x64xf32, #tpu.memory_space<vmem_shared>>) dst(%dma_wait3A_84 : memref<80x64xf32, #tpu.memory_space<hbm>>)
      tpu.yield
    }) : () -> ()
    %mul3A_51 = arith.constant 640 : i32
    %mul3A_52 = arith.muli %arg1, %mul3A_51 : i32
    %add3A_53 = arith.constant 80 : i32
    %add3A_54 = arith.addi %mul3A_52, %add3A_53 : i32
    "tpu.region"() ({
      %run_scoped3A = tpu.sem_alloc : memref<!tpu.dma_semaphore, #tpu.memory_space<semaphore_mem>>
      %dma_start3A = arith.constant 0 : i32
      %dma_start3A_79 = tpu.memref_slice %arg5[%arg0, %add3A_54, %dma_start3A] : memref<2x10240x64xf32, #tpu.memory_space<hbm>> -> memref<1x80x64xf32, #tpu.memory_space<hbm>>
      %dma_start3A_80 = tpu.memref_squeeze %dma_start3A_79 : memref<1x80x64xf32, #tpu.memory_space<hbm>> -> memref<80x64xf32, #tpu.memory_space<hbm>>
      %dma_start3A_81 = arith.constant 0 : i32
      %dma_start3A_82 = tpu.memref_slice %arg9[%add3A_54, %dma_start3A_81] : memref<10240x64xf32, #tpu.memory_space<vmem_shared>> -> memref<80x64xf32, #tpu.memory_space<vmem_shared>>
      tpu.enqueue_dma source(%dma_start3A_82 : memref<80x64xf32, #tpu.memory_space<vmem_shared>>) target(%dma_start3A_80 : memref<80x64xf32, #tpu.memory_space<hbm>>) target_semaphore(%run_scoped3A : memref<!tpu.dma_semaphore, #tpu.memory_space<semaphore_mem>>)
      %dma_wait3A = arith.constant 0 : i32
      %dma_wait3A_83 = tpu.memref_slice %arg5[%arg0, %add3A_54, %dma_wait3A] : memref<2x10240x64xf32, #tpu.memory_space<hbm>> -> memref<1x80x64xf32, #tpu.memory_space<hbm>>
      %dma_wait3A_84 = tpu.memref_squeeze %dma_wait3A_83 : memref<1x80x64xf32, #tpu.memory_space<hbm>> -> memref<80x64xf32, #tpu.memory_space<hbm>>
      %dma_wait3A_85 = arith.constant 0 : i32
      %dma_wait3A_86 = tpu.memref_slice %arg9[%add3A_54, %dma_wait3A_85] : memref<10240x64xf32, #tpu.memory_space<vmem_shared>> -> memref<80x64xf32, #tpu.memory_space<vmem_shared>>
      tpu.wait_dma2 semaphore(%run_scoped3A : memref<!tpu.dma_semaphore, #tpu.memory_space<semaphore_mem>>) src(%dma_wait3A_86 : memref<80x64xf32, #tpu.memory_space<vmem_shared>>) dst(%dma_wait3A_84 : memref<80x64xf32, #tpu.memory_space<hbm>>)
      tpu.yield
    }) : () -> ()
    %mul3A_55 = arith.constant 640 : i32
    %mul3A_56 = arith.muli %arg1, %mul3A_55 : i32
    %add3A_57 = arith.constant 160 : i32
    %add3A_58 = arith.addi %mul3A_56, %add3A_57 : i32
    "tpu.region"() ({
      %run_scoped3A = tpu.sem_alloc : memref<!tpu.dma_semaphore, #tpu.memory_space<semaphore_mem>>
      %dma_start3A = arith.constant 0 : i32
      %dma_start3A_79 = tpu.memref_slice %arg5[%arg0, %add3A_58, %dma_start3A] : memref<2x10240x64xf32, #tpu.memory_space<hbm>> -> memref<1x80x64xf32, #tpu.memory_space<hbm>>
      %dma_start3A_80 = tpu.memref_squeeze %dma_start3A_79 : memref<1x80x64xf32, #tpu.memory_space<hbm>> -> memref<80x64xf32, #tpu.memory_space<hbm>>
      %dma_start3A_81 = arith.constant 0 : i32
      %dma_start3A_82 = tpu.memref_slice %arg9[%add3A_58, %dma_start3A_81] : memref<10240x64xf32, #tpu.memory_space<vmem_shared>> -> memref<80x64xf32, #tpu.memory_space<vmem_shared>>
      tpu.enqueue_dma source(%dma_start3A_82 : memref<80x64xf32, #tpu.memory_space<vmem_shared>>) target(%dma_start3A_80 : memref<80x64xf32, #tpu.memory_space<hbm>>) target_semaphore(%run_scoped3A : memref<!tpu.dma_semaphore, #tpu.memory_space<semaphore_mem>>)
      %dma_wait3A = arith.constant 0 : i32
      %dma_wait3A_83 = tpu.memref_slice %arg5[%arg0, %add3A_58, %dma_wait3A] : memref<2x10240x64xf32, #tpu.memory_space<hbm>> -> memref<1x80x64xf32, #tpu.memory_space<hbm>>
      %dma_wait3A_84 = tpu.memref_squeeze %dma_wait3A_83 : memref<1x80x64xf32, #tpu.memory_space<hbm>> -> memref<80x64xf32, #tpu.memory_space<hbm>>
      %dma_wait3A_85 = arith.constant 0 : i32
      %dma_wait3A_86 = tpu.memref_slice %arg9[%add3A_58, %dma_wait3A_85] : memref<10240x64xf32, #tpu.memory_space<vmem_shared>> -> memref<80x64xf32, #tpu.memory_space<vmem_shared>>
      tpu.wait_dma2 semaphore(%run_scoped3A : memref<!tpu.dma_semaphore, #tpu.memory_space<semaphore_mem>>) src(%dma_wait3A_86 : memref<80x64xf32, #tpu.memory_space<vmem_shared>>) dst(%dma_wait3A_84 : memref<80x64xf32, #tpu.memory_space<hbm>>)
      tpu.yield
    }) : () -> ()
    %mul3A_59 = arith.constant 640 : i32
    %mul3A_60 = arith.muli %arg1, %mul3A_59 : i32
    %add3A_61 = arith.constant 240 : i32
    %add3A_62 = arith.addi %mul3A_60, %add3A_61 : i32
    "tpu.region"() ({
      %run_scoped3A = tpu.sem_alloc : memref<!tpu.dma_semaphore, #tpu.memory_space<semaphore_mem>>
      %dma_start3A = arith.constant 0 : i32
      %dma_start3A_79 = tpu.memref_slice %arg5[%arg0, %add3A_62, %dma_start3A] : memref<2x10240x64xf32, #tpu.memory_space<hbm>> -> memref<1x80x64xf32, #tpu.memory_space<hbm>>
      %dma_start3A_80 = tpu.memref_squeeze %dma_start3A_79 : memref<1x80x64xf32, #tpu.memory_space<hbm>> -> memref<80x64xf32, #tpu.memory_space<hbm>>
      %dma_start3A_81 = arith.constant 0 : i32
      %dma_start3A_82 = tpu.memref_slice %arg9[%add3A_62, %dma_start3A_81] : memref<10240x64xf32, #tpu.memory_space<vmem_shared>> -> memref<80x64xf32, #tpu.memory_space<vmem_shared>>
      tpu.enqueue_dma source(%dma_start3A_82 : memref<80x64xf32, #tpu.memory_space<vmem_shared>>) target(%dma_start3A_80 : memref<80x64xf32, #tpu.memory_space<hbm>>) target_semaphore(%run_scoped3A : memref<!tpu.dma_semaphore, #tpu.memory_space<semaphore_mem>>)
      %dma_wait3A = arith.constant 0 : i32
      %dma_wait3A_83 = tpu.memref_slice %arg5[%arg0, %add3A_62, %dma_wait3A] : memref<2x10240x64xf32, #tpu.memory_space<hbm>> -> memref<1x80x64xf32, #tpu.memory_space<hbm>>
      %dma_wait3A_84 = tpu.memref_squeeze %dma_wait3A_83 : memref<1x80x64xf32, #tpu.memory_space<hbm>> -> memref<80x64xf32, #tpu.memory_space<hbm>>
      %dma_wait3A_85 = arith.constant 0 : i32
      %dma_wait3A_86 = tpu.memref_slice %arg9[%add3A_62, %dma_wait3A_85] : memref<10240x64xf32, #tpu.memory_space<vmem_shared>> -> memref<80x64xf32, #tpu.memory_space<vmem_shared>>
      tpu.wait_dma2 semaphore(%run_scoped3A : memref<!tpu.dma_semaphore, #tpu.memory_space<semaphore_mem>>) src(%dma_wait3A_86 : memref<80x64xf32, #tpu.memory_space<vmem_shared>>) dst(%dma_wait3A_84 : memref<80x64xf32, #tpu.memory_space<hbm>>)
      tpu.yield
    }) : () -> ()
    %mul3A_63 = arith.constant 640 : i32
    %mul3A_64 = arith.muli %arg1, %mul3A_63 : i32
    %add3A_65 = arith.constant 320 : i32
    %add3A_66 = arith.addi %mul3A_64, %add3A_65 : i32
    "tpu.region"() ({
      %run_scoped3A = tpu.sem_alloc : memref<!tpu.dma_semaphore, #tpu.memory_space<semaphore_mem>>
      %dma_start3A = arith.constant 0 : i32
      %dma_start3A_79 = tpu.memref_slice %arg5[%arg0, %add3A_66, %dma_start3A] : memref<2x10240x64xf32, #tpu.memory_space<hbm>> -> memref<1x80x64xf32, #tpu.memory_space<hbm>>
      %dma_start3A_80 = tpu.memref_squeeze %dma_start3A_79 : memref<1x80x64xf32, #tpu.memory_space<hbm>> -> memref<80x64xf32, #tpu.memory_space<hbm>>
      %dma_start3A_81 = arith.constant 0 : i32
      %dma_start3A_82 = tpu.memref_slice %arg9[%add3A_66, %dma_start3A_81] : memref<10240x64xf32, #tpu.memory_space<vmem_shared>> -> memref<80x64xf32, #tpu.memory_space<vmem_shared>>
      tpu.enqueue_dma source(%dma_start3A_82 : memref<80x64xf32, #tpu.memory_space<vmem_shared>>) target(%dma_start3A_80 : memref<80x64xf32, #tpu.memory_space<hbm>>) target_semaphore(%run_scoped3A : memref<!tpu.dma_semaphore, #tpu.memory_space<semaphore_mem>>)
      %dma_wait3A = arith.constant 0 : i32
      %dma_wait3A_83 = tpu.memref_slice %arg5[%arg0, %add3A_66, %dma_wait3A] : memref<2x10240x64xf32, #tpu.memory_space<hbm>> -> memref<1x80x64xf32, #tpu.memory_space<hbm>>
      %dma_wait3A_84 = tpu.memref_squeeze %dma_wait3A_83 : memref<1x80x64xf32, #tpu.memory_space<hbm>> -> memref<80x64xf32, #tpu.memory_space<hbm>>
      %dma_wait3A_85 = arith.constant 0 : i32
      %dma_wait3A_86 = tpu.memref_slice %arg9[%add3A_66, %dma_wait3A_85] : memref<10240x64xf32, #tpu.memory_space<vmem_shared>> -> memref<80x64xf32, #tpu.memory_space<vmem_shared>>
      tpu.wait_dma2 semaphore(%run_scoped3A : memref<!tpu.dma_semaphore, #tpu.memory_space<semaphore_mem>>) src(%dma_wait3A_86 : memref<80x64xf32, #tpu.memory_space<vmem_shared>>) dst(%dma_wait3A_84 : memref<80x64xf32, #tpu.memory_space<hbm>>)
      tpu.yield
    }) : () -> ()
    %mul3A_67 = arith.constant 640 : i32
    %mul3A_68 = arith.muli %arg1, %mul3A_67 : i32
    %add3A_69 = arith.constant 400 : i32
    %add3A_70 = arith.addi %mul3A_68, %add3A_69 : i32
    "tpu.region"() ({
      %run_scoped3A = tpu.sem_alloc : memref<!tpu.dma_semaphore, #tpu.memory_space<semaphore_mem>>
      %dma_start3A = arith.constant 0 : i32
      %dma_start3A_79 = tpu.memref_slice %arg5[%arg0, %add3A_70, %dma_start3A] : memref<2x10240x64xf32, #tpu.memory_space<hbm>> -> memref<1x80x64xf32, #tpu.memory_space<hbm>>
      %dma_start3A_80 = tpu.memref_squeeze %dma_start3A_79 : memref<1x80x64xf32, #tpu.memory_space<hbm>> -> memref<80x64xf32, #tpu.memory_space<hbm>>
      %dma_start3A_81 = arith.constant 0 : i32
      %dma_start3A_82 = tpu.memref_slice %arg9[%add3A_70, %dma_start3A_81] : memref<10240x64xf32, #tpu.memory_space<vmem_shared>> -> memref<80x64xf32, #tpu.memory_space<vmem_shared>>
      tpu.enqueue_dma source(%dma_start3A_82 : memref<80x64xf32, #tpu.memory_space<vmem_shared>>) target(%dma_start3A_80 : memref<80x64xf32, #tpu.memory_space<hbm>>) target_semaphore(%run_scoped3A : memref<!tpu.dma_semaphore, #tpu.memory_space<semaphore_mem>>)
      %dma_wait3A = arith.constant 0 : i32
      %dma_wait3A_83 = tpu.memref_slice %arg5[%arg0, %add3A_70, %dma_wait3A] : memref<2x10240x64xf32, #tpu.memory_space<hbm>> -> memref<1x80x64xf32, #tpu.memory_space<hbm>>
      %dma_wait3A_84 = tpu.memref_squeeze %dma_wait3A_83 : memref<1x80x64xf32, #tpu.memory_space<hbm>> -> memref<80x64xf32, #tpu.memory_space<hbm>>
      %dma_wait3A_85 = arith.constant 0 : i32
      %dma_wait3A_86 = tpu.memref_slice %arg9[%add3A_70, %dma_wait3A_85] : memref<10240x64xf32, #tpu.memory_space<vmem_shared>> -> memref<80x64xf32, #tpu.memory_space<vmem_shared>>
      tpu.wait_dma2 semaphore(%run_scoped3A : memref<!tpu.dma_semaphore, #tpu.memory_space<semaphore_mem>>) src(%dma_wait3A_86 : memref<80x64xf32, #tpu.memory_space<vmem_shared>>) dst(%dma_wait3A_84 : memref<80x64xf32, #tpu.memory_space<hbm>>)
      tpu.yield
    }) : () -> ()
    %mul3A_71 = arith.constant 640 : i32
    %mul3A_72 = arith.muli %arg1, %mul3A_71 : i32
    %add3A_73 = arith.constant 480 : i32
    %add3A_74 = arith.addi %mul3A_72, %add3A_73 : i32
    "tpu.region"() ({
      %run_scoped3A = tpu.sem_alloc : memref<!tpu.dma_semaphore, #tpu.memory_space<semaphore_mem>>
      %dma_start3A = arith.constant 0 : i32
      %dma_start3A_79 = tpu.memref_slice %arg5[%arg0, %add3A_74, %dma_start3A] : memref<2x10240x64xf32, #tpu.memory_space<hbm>> -> memref<1x80x64xf32, #tpu.memory_space<hbm>>
      %dma_start3A_80 = tpu.memref_squeeze %dma_start3A_79 : memref<1x80x64xf32, #tpu.memory_space<hbm>> -> memref<80x64xf32, #tpu.memory_space<hbm>>
      %dma_start3A_81 = arith.constant 0 : i32
      %dma_start3A_82 = tpu.memref_slice %arg9[%add3A_74, %dma_start3A_81] : memref<10240x64xf32, #tpu.memory_space<vmem_shared>> -> memref<80x64xf32, #tpu.memory_space<vmem_shared>>
      tpu.enqueue_dma source(%dma_start3A_82 : memref<80x64xf32, #tpu.memory_space<vmem_shared>>) target(%dma_start3A_80 : memref<80x64xf32, #tpu.memory_space<hbm>>) target_semaphore(%run_scoped3A : memref<!tpu.dma_semaphore, #tpu.memory_space<semaphore_mem>>)
      %dma_wait3A = arith.constant 0 : i32
      %dma_wait3A_83 = tpu.memref_slice %arg5[%arg0, %add3A_74, %dma_wait3A] : memref<2x10240x64xf32, #tpu.memory_space<hbm>> -> memref<1x80x64xf32, #tpu.memory_space<hbm>>
      %dma_wait3A_84 = tpu.memref_squeeze %dma_wait3A_83 : memref<1x80x64xf32, #tpu.memory_space<hbm>> -> memref<80x64xf32, #tpu.memory_space<hbm>>
      %dma_wait3A_85 = arith.constant 0 : i32
      %dma_wait3A_86 = tpu.memref_slice %arg9[%add3A_74, %dma_wait3A_85] : memref<10240x64xf32, #tpu.memory_space<vmem_shared>> -> memref<80x64xf32, #tpu.memory_space<vmem_shared>>
      tpu.wait_dma2 semaphore(%run_scoped3A : memref<!tpu.dma_semaphore, #tpu.memory_space<semaphore_mem>>) src(%dma_wait3A_86 : memref<80x64xf32, #tpu.memory_space<vmem_shared>>) dst(%dma_wait3A_84 : memref<80x64xf32, #tpu.memory_space<hbm>>)
      tpu.yield
    }) : () -> ()
    %mul3A_75 = arith.constant 640 : i32
    %mul3A_76 = arith.muli %arg1, %mul3A_75 : i32
    %add3A_77 = arith.constant 560 : i32
    %add3A_78 = arith.addi %mul3A_76, %add3A_77 : i32
    "tpu.region"() ({
      %run_scoped3A = tpu.sem_alloc : memref<!tpu.dma_semaphore, #tpu.memory_space<semaphore_mem>>
      %dma_start3A = arith.constant 0 : i32
      %dma_start3A_79 = tpu.memref_slice %arg5[%arg0, %add3A_78, %dma_start3A] : memref<2x10240x64xf32, #tpu.memory_space<hbm>> -> memref<1x80x64xf32, #tpu.memory_space<hbm>>
      %dma_start3A_80 = tpu.memref_squeeze %dma_start3A_79 : memref<1x80x64xf32, #tpu.memory_space<hbm>> -> memref<80x64xf32, #tpu.memory_space<hbm>>
      %dma_start3A_81 = arith.constant 0 : i32
      %dma_start3A_82 = tpu.memref_slice %arg9[%add3A_78, %dma_start3A_81] : memref<10240x64xf32, #tpu.memory_space<vmem_shared>> -> memref<80x64xf32, #tpu.memory_space<vmem_shared>>
      tpu.enqueue_dma source(%dma_start3A_82 : memref<80x64xf32, #tpu.memory_space<vmem_shared>>) target(%dma_start3A_80 : memref<80x64xf32, #tpu.memory_space<hbm>>) target_semaphore(%run_scoped3A : memref<!tpu.dma_semaphore, #tpu.memory_space<semaphore_mem>>)
      %dma_wait3A = arith.constant 0 : i32
      %dma_wait3A_83 = tpu.memref_slice %arg5[%arg0, %add3A_78, %dma_wait3A] : memref<2x10240x64xf32, #tpu.memory_space<hbm>> -> memref<1x80x64xf32, #tpu.memory_space<hbm>>
      %dma_wait3A_84 = tpu.memref_squeeze %dma_wait3A_83 : memref<1x80x64xf32, #tpu.memory_space<hbm>> -> memref<80x64xf32, #tpu.memory_space<hbm>>
      %dma_wait3A_85 = arith.constant 0 : i32
      %dma_wait3A_86 = tpu.memref_slice %arg9[%add3A_78, %dma_wait3A_85] : memref<10240x64xf32, #tpu.memory_space<vmem_shared>> -> memref<80x64xf32, #tpu.memory_space<vmem_shared>>
      tpu.wait_dma2 semaphore(%run_scoped3A : memref<!tpu.dma_semaphore, #tpu.memory_space<semaphore_mem>>) src(%dma_wait3A_86 : memref<80x64xf32, #tpu.memory_space<vmem_shared>>) dst(%dma_wait3A_84 : memref<80x64xf32, #tpu.memory_space<hbm>>)
      tpu.yield
    }) : () -> ()
    return
  }
}

module attributes {stable_mosaic.version = 14 : i64} {
  func.func @_tc1_body(%arg0: i32, %arg1: memref<1024x128xf32, #tpu.memory_space<vmem>>, %arg2: memref<128x128xf32, #tpu.memory_space<vmem>>, %arg3: memref<2x2x1024xf32, #tpu.memory_space<vmem>>, %arg4: memref<1024x128xf32, #tpu.memory_space<vmem>>) attributes {dimension_semantics = [#tpu.dimension_semantics<arbitrary>], iteration_bounds = array<i64: 10>, scalar_prefetch = 0 : i64, scratch_operands = 0 : i64, tpu.core_type = #tpu.core_type<tc>, window_params = [{transform_indices = @transform_0, window_bounds = array<i64: 1024, 128>}, {pipeline_mode = #tpu.pipeline_mode<synchronous>, transform_indices = @transform_1, window_bounds = array<i64: 128, 128>}, {transform_indices = @transform_2, window_bounds = array<i64: 2, 2, 1024>}, {transform_indices = @transform_3, window_bounds = array<i64: 1024, 128>}]} {
    %get3A = arith.constant 0 : index
    %get3A_0 = arith.constant 0 : index
    %get3A_1 = arith.constant 0 : index
    %get3A_2 = vector.load %arg3[%get3A, %get3A_0, %get3A_1] : memref<2x2x1024xf32, #tpu.memory_space<vmem>>, vector<1x1x1024xf32>
    %get3A_3 = vector.shape_cast %get3A_2 : vector<1x1x1024xf32> to vector<1024xf32>
    %get3A_4 = arith.constant 1 : index
    %get3A_5 = arith.constant 0 : index
    %get3A_6 = arith.constant 0 : index
    %get3A_7 = vector.load %arg3[%get3A_4, %get3A_5, %get3A_6] : memref<2x2x1024xf32, #tpu.memory_space<vmem>>, vector<1x1x1024xf32>
    %get3A_8 = vector.shape_cast %get3A_7 : vector<1x1x1024xf32> to vector<1024xf32>
    %add3A = arith.addf %get3A_3, %get3A_8 : vector<1024xf32>
    %max3A = arith.constant 1.000000e+00 : f32
    %max3A_9 = vector.broadcast %max3A : f32 to vector<1024xf32>
    %max3A_10 = arith.maximumf %add3A, %max3A_9 : vector<1024xf32>
    %rsqrt3A = math.rsqrt %max3A_10 : vector<1024xf32>
    %get3A_11 = arith.constant 0 : index
    %get3A_12 = arith.constant 0 : index
    %get3A_13 = vector.load %arg1[%get3A_11, %get3A_12] : memref<1024x128xf32, #tpu.memory_space<vmem>>, vector<1024x128xf32>
    %get3A_14 = arith.constant 0 : index
    %get3A_15 = arith.constant 0 : index
    %get3A_16 = vector.load %arg2[%get3A_14, %get3A_15] : memref<128x128xf32, #tpu.memory_space<vmem>>, vector<128x128xf32>
    %dot_general3A = arith.constant dense<0.000000e+00> : vector<1024x128xf32>
    %dot_general3A_17 = tpu.matmul %get3A_13, %get3A_16, %dot_general3A {dimension_numbers = #tpu.dot_dimension_numbers<[1], [0], [0], [1], [0, 0, 1, 1], [], []>, transpose_lhs_hint = false} : vector<1024x128xf32>, vector<128x128xf32>, vector<1024x128xf32> -> vector<1024x128xf32>
    %broadcast_in_dim3A = vector.shape_cast %rsqrt3A : vector<1024xf32> to vector<1024x1xf32>
    %mul3A = vector.broadcast %broadcast_in_dim3A : vector<1024x1xf32> to vector<1024x128xf32>
    %mul3A_18 = arith.mulf %dot_general3A_17, %mul3A : vector<1024x128xf32>
    %swap3A = arith.constant 0 : index
    %swap3A_19 = arith.constant 0 : index
    %swap3A_20 = vector.load %arg4[%swap3A, %swap3A_19] : memref<1024x128xf32, #tpu.memory_space<vmem>>, vector<1024x128xf32>
    tpu.vector_store %arg4[%swap3A, %swap3A_19], %mul3A_18 {strides = array<i32>} : memref<1024x128xf32, #tpu.memory_space<vmem>>, vector<1024x128xf32>,
    return
  }
  func.func @transform_0(%arg0: i32) -> (i32, i32) {
    %c0_i32 = arith.constant 0 : i32
    %c0_i32_0 = arith.constant 0 : i32
    return %arg0, %c0_i32 : i32, i32
  }
  func.func @transform_1(%arg0: i32) -> (i32, i32) {
    %c0_i32 = arith.constant 0 : i32
    %c0_i32_0 = arith.constant 0 : i32
    %c0_i32_1 = arith.constant 0 : i32
    return %c0_i32, %c0_i32_0 : i32, i32
  }
  func.func @transform_2(%arg0: i32) -> (i32, i32, i32) {
    %c0_i32 = arith.constant 0 : i32
    %c0_i32_0 = arith.constant 0 : i32
    %c0_i32_1 = arith.constant 0 : i32
    return %c0_i32, %c0_i32_0, %arg0 : i32, i32, i32
  }
  func.func @transform_3(%arg0: i32) -> (i32, i32) {
    %c0_i32 = arith.constant 0 : i32
    %c0_i32_0 = arith.constant 0 : i32
    return %arg0, %c0_i32 : i32, i32
  }
}

module attributes {stable_mosaic.version = 14 : i64} {
  func.func @_tc2_body(%arg0: i32, %arg1: memref<2x1024x128xf32, #tpu.memory_space<vmem>>, %arg2: memref<2x2x1024xf32, #tpu.memory_space<vmem>>, %arg3: memref<128xf32, #tpu.memory_space<vmem>>, %arg4: memref<128x64xf32, #tpu.memory_space<vmem>>, %arg5: memref<1024x64xf32, #tpu.memory_space<vmem>>) attributes {dimension_semantics = [#tpu.dimension_semantics<arbitrary>], iteration_bounds = array<i64: 10>, scalar_prefetch = 0 : i64, scratch_operands = 0 : i64, tpu.core_type = #tpu.core_type<tc>, window_params = [{transform_indices = @transform_0, window_bounds = array<i64: 2, 1024, 128>}, {transform_indices = @transform_1, window_bounds = array<i64: 2, 2, 1024>}, {pipeline_mode = #tpu.pipeline_mode<synchronous>, transform_indices = @transform_2, window_bounds = array<i64: 128>}, {pipeline_mode = #tpu.pipeline_mode<synchronous>, transform_indices = @transform_3, window_bounds = array<i64: 128, 64>}, {transform_indices = @transform_4, window_bounds = array<i64: 1024, 64>}]} {
    %get3A = arith.constant 0 : index
    %get3A_0 = arith.constant 0 : index
    %get3A_1 = arith.constant 0 : index
    %get3A_2 = vector.load %arg1[%get3A, %get3A_0, %get3A_1] : memref<2x1024x128xf32, #tpu.memory_space<vmem>>, vector<1x1024x128xf32>
    %get3A_3 = vector.shape_cast %get3A_2 : vector<1x1024x128xf32> to vector<1024x128xf32>
    %get3A_4 = arith.constant 1 : index
    %get3A_5 = arith.constant 0 : index
    %get3A_6 = arith.constant 0 : index
    %get3A_7 = vector.load %arg1[%get3A_4, %get3A_5, %get3A_6] : memref<2x1024x128xf32, #tpu.memory_space<vmem>>, vector<1x1024x128xf32>
    %get3A_8 = vector.shape_cast %get3A_7 : vector<1x1024x128xf32> to vector<1024x128xf32>
    %add3A = arith.addf %get3A_3, %get3A_8 : vector<1024x128xf32>
    %get3A_9 = arith.constant 0 : index
    %get3A_10 = arith.constant 1 : index
    %get3A_11 = arith.constant 0 : index
    %get3A_12 = vector.load %arg2[%get3A_9, %get3A_10, %get3A_11] : memref<2x2x1024xf32, #tpu.memory_space<vmem>>, vector<1x1x1024xf32>
    %get3A_13 = vector.shape_cast %get3A_12 : vector<1x1x1024xf32> to vector<1024xf32>
    %get3A_14 = arith.constant 1 : index
    %get3A_15 = arith.constant 1 : index
    %get3A_16 = arith.constant 0 : index
    %get3A_17 = vector.load %arg2[%get3A_14, %get3A_15, %get3A_16] : memref<2x2x1024xf32, #tpu.memory_space<vmem>>, vector<1x1x1024xf32>
    %get3A_18 = vector.shape_cast %get3A_17 : vector<1x1x1024xf32> to vector<1024xf32>
    %add3A_19 = arith.addf %get3A_13, %get3A_18 : vector<1024xf32>
    %max3A = arith.constant 1.000000e+00 : f32
    %max3A_20 = vector.broadcast %max3A : f32 to vector<1024xf32>
    %max3A_21 = arith.maximumf %add3A_19, %max3A_20 : vector<1024xf32>
    %rsqrt3A = math.rsqrt %max3A_21 : vector<1024xf32>
    %get3A_22 = arith.constant 0 : index
    %get3A_23 = arith.constant 0 : index
    %get3A_24 = arith.constant 0 : index
    %get3A_25 = vector.load %arg2[%get3A_22, %get3A_23, %get3A_24] : memref<2x2x1024xf32, #tpu.memory_space<vmem>>, vector<1x1x1024xf32>
    %get3A_26 = vector.shape_cast %get3A_25 : vector<1x1x1024xf32> to vector<1024xf32>
    %get3A_27 = arith.constant 1 : index
    %get3A_28 = arith.constant 0 : index
    %get3A_29 = arith.constant 0 : index
    %get3A_30 = vector.load %arg2[%get3A_27, %get3A_28, %get3A_29] : memref<2x2x1024xf32, #tpu.memory_space<vmem>>, vector<1x1x1024xf32>
    %get3A_31 = vector.shape_cast %get3A_30 : vector<1x1x1024xf32> to vector<1024xf32>
    %add3A_32 = arith.addf %get3A_26, %get3A_31 : vector<1024xf32>
    %max3A_33 = arith.constant 1.000000e+00 : f32
    %max3A_34 = vector.broadcast %max3A_33 : f32 to vector<1024xf32>
    %max3A_35 = arith.maximumf %add3A_32, %max3A_34 : vector<1024xf32>
    %rsqrt3A_36 = math.rsqrt %max3A_35 : vector<1024xf32>
    %broadcast_in_dim3A = vector.shape_cast %rsqrt3A : vector<1024xf32> to vector<1024x1xf32>
    %mul3A = vector.broadcast %broadcast_in_dim3A : vector<1024x1xf32> to vector<1024x128xf32>
    %mul3A_37 = arith.mulf %add3A, %mul3A : vector<1024x128xf32>
    %get3A_38 = arith.constant 0 : index
    %get3A_39 = vector.load %arg3[%get3A_38] : memref<128xf32, #tpu.memory_space<vmem>>, vector<128xf32>
    %broadcast_in_dim3A_40 = vector.shape_cast %get3A_39 : vector<128xf32> to vector<1x128xf32>
    %add3A_41 = vector.broadcast %broadcast_in_dim3A_40 : vector<1x128xf32> to vector<1024x128xf32>
    %add3A_42 = arith.addf %mul3A_37, %add3A_41 : vector<1024x128xf32>
    %max3A_43 = arith.constant 0.000000e+00 : f32
    %max3A_44 = vector.broadcast %max3A_43 : f32 to vector<1024x128xf32>
    %max3A_45 = arith.maximumf %add3A_42, %max3A_44 : vector<1024x128xf32>
    %get3A_46 = arith.constant 0 : index
    %get3A_47 = arith.constant 0 : index
    %get3A_48 = vector.load %arg4[%get3A_46, %get3A_47] : memref<128x64xf32, #tpu.memory_space<vmem>>, vector<128x64xf32>
    %dot_general3A = arith.constant dense<0.000000e+00> : vector<1024x64xf32>
    %dot_general3A_49 = tpu.matmul %max3A_45, %get3A_48, %dot_general3A {dimension_numbers = #tpu.dot_dimension_numbers<[1], [0], [0], [1], [0, 0, 1, 1], [], []>, transpose_lhs_hint = false} : vector<1024x128xf32>, vector<128x64xf32>, vector<1024x64xf32> -> vector<1024x64xf32>
    %broadcast_in_dim3A_50 = vector.shape_cast %rsqrt3A_36 : vector<1024xf32> to vector<1024x1xf32>
    %mul3A_51 = vector.broadcast %broadcast_in_dim3A_50 : vector<1024x1xf32> to vector<1024x64xf32>
    %mul3A_52 = arith.mulf %dot_general3A_49, %mul3A_51 : vector<1024x64xf32>
    %swap3A = arith.constant 0 : index
    %swap3A_53 = arith.constant 0 : index
    %swap3A_54 = vector.load %arg5[%swap3A, %swap3A_53] : memref<1024x64xf32, #tpu.memory_space<vmem>>, vector<1024x64xf32>
    tpu.vector_store %arg5[%swap3A, %swap3A_53], %mul3A_52 {strides = array<i32>} : memref<1024x64xf32, #tpu.memory_space<vmem>>, vector<1024x64xf32>,
    return
  }
  func.func @transform_0(%arg0: i32) -> (i32, i32, i32) {
    %c0_i32 = arith.constant 0 : i32
    %c0_i32_0 = arith.constant 0 : i32
    %c0_i32_1 = arith.constant 0 : i32
    return %c0_i32, %arg0, %c0_i32_0 : i32, i32, i32
  }
  func.func @transform_1(%arg0: i32) -> (i32, i32, i32) {
    %c0_i32 = arith.constant 0 : i32
    %c0_i32_0 = arith.constant 0 : i32
    %c0_i32_1 = arith.constant 0 : i32
    return %c0_i32, %c0_i32_0, %arg0 : i32, i32, i32
  }
  func.func @transform_2(%arg0: i32) -> i32 {
    %c0_i32 = arith.constant 0 : i32
    %c0_i32_0 = arith.constant 0 : i32
    return %c0_i32 : i32
  }
  func.func @transform_3(%arg0: i32) -> (i32, i32) {
    %c0_i32 = arith.constant 0 : i32
    %c0_i32_0 = arith.constant 0 : i32
    %c0_i32_1 = arith.constant 0 : i32
    return %c0_i32, %c0_i32_0 : i32, i32
  }
  func.func @transform_4(%arg0: i32) -> (i32, i32) {
    %c0_i32 = arith.constant 0 : i32
    %c0_i32_0 = arith.constant 0 : i32
    return %arg0, %c0_i32 : i32, i32
  }
}

module attributes {stable_mosaic.version = 14 : i64} {
  func.func @_tc3_body(%arg0: i32, %arg1: memref<2x1024x64xf32, #tpu.memory_space<vmem>>, %arg2: memref<2x2x1024xf32, #tpu.memory_space<vmem>>, %arg3: memref<64xf32, #tpu.memory_space<vmem>>, %arg4: memref<1024x64xf32, #tpu.memory_space<vmem>>) attributes {dimension_semantics = [#tpu.dimension_semantics<arbitrary>], iteration_bounds = array<i64: 10>, scalar_prefetch = 0 : i64, scratch_operands = 0 : i64, tpu.core_type = #tpu.core_type<tc>, window_params = [{transform_indices = @transform_0, window_bounds = array<i64: 2, 1024, 64>}, {transform_indices = @transform_1, window_bounds = array<i64: 2, 2, 1024>}, {pipeline_mode = #tpu.pipeline_mode<synchronous>, transform_indices = @transform_2, window_bounds = array<i64: 64>}, {transform_indices = @transform_3, window_bounds = array<i64: 1024, 64>}]} {
    %get3A = arith.constant 0 : index
    %get3A_0 = arith.constant 0 : index
    %get3A_1 = arith.constant 0 : index
    %get3A_2 = vector.load %arg1[%get3A, %get3A_0, %get3A_1] : memref<2x1024x64xf32, #tpu.memory_space<vmem>>, vector<1x1024x64xf32>
    %get3A_3 = vector.shape_cast %get3A_2 : vector<1x1024x64xf32> to vector<1024x64xf32>
    %get3A_4 = arith.constant 1 : index
    %get3A_5 = arith.constant 0 : index
    %get3A_6 = arith.constant 0 : index
    %get3A_7 = vector.load %arg1[%get3A_4, %get3A_5, %get3A_6] : memref<2x1024x64xf32, #tpu.memory_space<vmem>>, vector<1x1024x64xf32>
    %get3A_8 = vector.shape_cast %get3A_7 : vector<1x1024x64xf32> to vector<1024x64xf32>
    %add3A = arith.addf %get3A_3, %get3A_8 : vector<1024x64xf32>
    %get3A_9 = arith.constant 0 : index
    %get3A_10 = arith.constant 1 : index
    %get3A_11 = arith.constant 0 : index
    %get3A_12 = vector.load %arg2[%get3A_9, %get3A_10, %get3A_11] : memref<2x2x1024xf32, #tpu.memory_space<vmem>>, vector<1x1x1024xf32>
    %get3A_13 = vector.shape_cast %get3A_12 : vector<1x1x1024xf32> to vector<1024xf32>
    %get3A_14 = arith.constant 1 : index
    %get3A_15 = arith.constant 1 : index
    %get3A_16 = arith.constant 0 : index
    %get3A_17 = vector.load %arg2[%get3A_14, %get3A_15, %get3A_16] : memref<2x2x1024xf32, #tpu.memory_space<vmem>>, vector<1x1x1024xf32>
    %get3A_18 = vector.shape_cast %get3A_17 : vector<1x1x1024xf32> to vector<1024xf32>
    %add3A_19 = arith.addf %get3A_13, %get3A_18 : vector<1024xf32>
    %max3A = arith.constant 1.000000e+00 : f32
    %max3A_20 = vector.broadcast %max3A : f32 to vector<1024xf32>
    %max3A_21 = arith.maximumf %add3A_19, %max3A_20 : vector<1024xf32>
    %rsqrt3A = math.rsqrt %max3A_21 : vector<1024xf32>
    %broadcast_in_dim3A = vector.shape_cast %rsqrt3A : vector<1024xf32> to vector<1024x1xf32>
    %mul3A = vector.broadcast %broadcast_in_dim3A : vector<1024x1xf32> to vector<1024x64xf32>
    %mul3A_22 = arith.mulf %add3A, %mul3A : vector<1024x64xf32>
    %get3A_23 = arith.constant 0 : index
    %get3A_24 = vector.load %arg3[%get3A_23] : memref<64xf32, #tpu.memory_space<vmem>>, vector<64xf32>
    %broadcast_in_dim3A_25 = vector.shape_cast %get3A_24 : vector<64xf32> to vector<1x64xf32>
    %add3A_26 = vector.broadcast %broadcast_in_dim3A_25 : vector<1x64xf32> to vector<1024x64xf32>
    %add3A_27 = arith.addf %mul3A_22, %add3A_26 : vector<1024x64xf32>
    %swap3A = arith.constant 0 : index
    %swap3A_28 = arith.constant 0 : index
    %swap3A_29 = vector.load %arg4[%swap3A, %swap3A_28] : memref<1024x64xf32, #tpu.memory_space<vmem>>, vector<1024x64xf32>
    tpu.vector_store %arg4[%swap3A, %swap3A_28], %add3A_27 {strides = array<i32>} : memref<1024x64xf32, #tpu.memory_space<vmem>>, vector<1024x64xf32>,
    return
  }
  func.func @transform_0(%arg0: i32) -> (i32, i32, i32) {
    %c0_i32 = arith.constant 0 : i32
    %c0_i32_0 = arith.constant 0 : i32
    %c0_i32_1 = arith.constant 0 : i32
    return %c0_i32, %arg0, %c0_i32_0 : i32, i32, i32
  }
  func.func @transform_1(%arg0: i32) -> (i32, i32, i32) {
    %c0_i32 = arith.constant 0 : i32
    %c0_i32_0 = arith.constant 0 : i32
    %c0_i32_1 = arith.constant 0 : i32
    return %c0_i32, %c0_i32_0, %arg0 : i32, i32, i32
  }
  func.func @transform_2(%arg0: i32) -> i32 {
    %c0_i32 = arith.constant 0 : i32
    %c0_i32_0 = arith.constant 0 : i32
    return %c0_i32 : i32
  }
  func.func @transform_3(%arg0: i32) -> (i32, i32) {
    %c0_i32 = arith.constant 0 : i32
    %c0_i32_0 = arith.constant 0 : i32
    return %arg0, %c0_i32 : i32, i32
  }
}

</mosaic_0001>

<sc_bundles>
// kernel: kernel.11.cloned.1.call-start
scs
__scs_entry_jumppad:
0x0: {  	(pc) =	sbr.rel $0x88, $3  }
0x1: {  	(tag) =	ssettag $0x0;
	lr =	simm.s32 $0x1  }
0x2: {  	[smem:$0x3F9B] =	sst lr;
	_ =	strace $0xD0000000  }
0x3: {  	_ = 	snop  }
0x4: {  	_ = 	snop  }
0x5: {  	_ = 	snop  }
0x6: {  	_ = 	snop  }
0x7: {  	_ = 	snop  }
__scs_overlays_trampoline_lowered:
0x8: {  	[smem:$0x3FAA] =	sst s0  }
0x9: {  	[smem:$0x3FAB] =	sst s1  }
0xa: {  	[smem:$0x3FAC] =	sst s2  }
0xb: {  	[smem:$0x3FAD] =	sst s3  }
0xc: {  	[smem:$0x3FAE] =	sst s4  }
0xd: {  	[smem:$0x3FAF] =	sst s5  }
0xe: {  	[smem:$0x3FB0] =	sst s6  }
0xf: {  	[smem:$0x3FB1] =	sst s7  }
0x10: {  	[smem:$0x3FB2] =	sst s8  }
0x11: {  	[smem:$0x3FB3] =	sst s9;
	s0 =	simm.s32 @!p0 $0x0  }
0x12: {  	s1 =	sld [smem:$0x3F99];
	s0 =	simm.s32 @p0 $0x1  }
0x13: {  	[smem:$0x3FB4] =	sst s0;
	s0 =	simm.s32 @!p1 $0x0  }
0x14: {  	s2 =	sld [smem:$0x3F98];
	s0 =	simm.s32 @p1 $0x1  }
0x15: {  	[smem:$0x3FB5] =	sst s0;
	s0 =	simm.s32 @!p2 $0x0  }
0x16: {  	s3 =	sld [smem:$0x3FDB];
	s0 =	simm.s32 @p2 $0x1  }
0x17: {  	s4 =	simm.s32 $0x1BF5;
	[smem:$0x3FB7] =	sst s0  }
0x18: {  	s0 =	sld [smem:$0x3F9A];
	_ =	swait.ge [sflag:s4], $0x0  }
0x19: {  	s7 =	sld [smem:$0x3F9B]  }
0x1a: {  	s8 =	sadd.s32 $0xFFFFE003, lr  }
0x1b: {  	s9 =	sadd.s32 $0xFFFFFEF7, lr;
	s5 =	simm.s32 $0xFFFFFFFF;
	p2 =	slt.u32 s8, $0xFFFFF086  }
0x1c: {  	p1 =	slt.u32 s9, $0xF7A;
	s5 =	simm.s32 @!p2 $0x0  }
0x1d: {  	s5 =	simm.s32 @p1 $0x1;
	p0 =	seq.s32 s7, s2  }
0x1e: {  	s7 =	smul.u32 @!p0 $0xF7A, s2;
	p2 =	seq.s32 @!p0 s5, $0x0  }
0x1f: {  	s9 =	smul.u32 $0xF7A, s1;
	s8 =	simm.s32 @!p0 $0x1BF5;
	p2 =	por !p2, p0  }
0x20: {  	[sflag:s8] =	ssyncset.s32 @!p0 $0xFFFFF086;
	s6 =	sadd.s32 @!p0 s3, s7;
	s7 =	simm.s32 @!p0 $0x108  }
0x21: {  	s3 =	sadd.s32 s3, s9;
	s6 =	sadd.s32 @!p0 $0x88, s6;
	s7 =	simm.s32 @p2 $0x1082  }
0x22: {  	[simem:s7], [sflag:s8] =	dma.local @!p0 [hbm:s6], $0xF7A  }
0x23: {  	s9 =	sor.u32 $0xD0000000, s2;
	s6 =	simm.s32 $0x108;
	_ =	swait.ge @!p0 [sflag:s8], $0x0  }
0x24: {  	s3 =	sadd.s32 $0x88, s3;
	s6 =	simm.s32 @!p1 $0x1082;
	[sflag:s4] =	ssyncset.s32 $0xFFFFF086  }
0x25: {  	[simem:s6], [sflag:s4] =	dma.local [hbm:s3], $0xF7A  }
0x26: {  	[smem:$0x3F9B] =	sst s1;
	(tag) =	ssettag s2;
	_ =	strace s9  }
0x27: {  	s1 =	sld [smem:$0x3FAB]  }
0x28: {  	s2 =	sld [smem:$0x3FAC]  }
0x29: {  	s4 =	sld [smem:$0x3FAE]  }
0x2a: {  	p0 =	seq.s32 s5, $0x0;
	s5 =	sld [smem:$0x3FAF]  }
0x2b: {  	s6 =	sld [smem:$0x3FB0]  }
0x2c: {  	s7 =	sld [smem:$0x3FB1]  }
0x2d: {  	s3 =	simm.s32 $0x108;
	s8 =	sld [smem:$0x3FB2]  }
0x2e: {  	s3 =	simm.s32 @!p0 $0x1082;
	s9 =	sld [smem:$0x3FB3]  }
0x2f: {  	lr =	sadd.s32 s0, s3;
	s0 =	sld [smem:$0x3FAA]  }
0x30: {  	s3 =	sld [smem:$0x3FAD]  }
0x31: {  	[smem:$0x3FB6] =	sst s10  }
0x32: {  	s10 =	sld [smem:$0x3FB4];
	_ =	sdelay $0x3  }
0x33: {  	p0 =	seq.s32 s10, $0x1;
	s10 =	sld [smem:$0x3FB6];
	_ =	sdelay $0x3  }
0x34: {  	[smem:$0x3FB6] =	sst s10  }
0x35: {  	s10 =	sld [smem:$0x3FB5];
	_ =	sdelay $0x3  }
0x36: {  	p1 =	seq.s32 s10, $0x1;
	s10 =	sld [smem:$0x3FB6];
	_ =	sdelay $0x3  }
0x37: {  	[smem:$0x3FB6] =	sst s10  }
0x38: {  	s10 =	sld [smem:$0x3FB7]  }
0x39: {  	_ = 	snop;
	(pc) =	sbr.ind lr, $3  }
0x3a: {  	_ = 	snop  }
0x3b: {  	_ = 	snop  }
0x3c: {  	p2 =	seq.s32 s10, $0x1;
	s10 =	sld [smem:$0x3FB6]  }
0x3d: {  	_ =	shalt  }
0x3e: {  	_ =	shalt  }
0x3f: {  	_ =	shalt  }
0x40: {  	_ =	shalt  }
0x41: {  	_ =	shalt  }
0x42: {  	_ =	shalt  }
0x43: {  	_ =	shalt  }
0x44: {  	_ =	shalt  }
0x45: {  	_ =	shalt  }
0x46: {  	_ =	shalt  }
0x47: {  	_ =	shalt  }
0x48: {  	_ =	shalt  }
0x49: {  	_ =	shalt  }
0x4a: {  	_ =	shalt  }
0x4b: {  	_ =	shalt  }
0x4c: {  	_ =	shalt  }
0x4d: {  	_ =	shalt  }
0x4e: {  	_ =	shalt  }
0x4f: {  	_ =	shalt  }
0x50: {  	_ =	shalt  }
0x51: {  	_ =	shalt  }
0x52: {  	_ =	shalt  }
0x53: {  	_ =	shalt  }
0x54: {  	_ =	shalt  }
0x55: {  	_ =	shalt  }
0x56: {  	_ =	shalt  }
0x57: {  	_ =	shalt  }
0x58: {  	_ =	shalt  }
0x59: {  	_ =	shalt  }
0x5a: {  	_ =	shalt  }
0x5b: {  	_ =	shalt  }
0x5c: {  	_ =	shalt  }
0x5d: {  	_ =	shalt  }
0x5e: {  	_ =	shalt  }
0x5f: {  	_ =	shalt  }
0x60: {  	_ =	shalt  }
0x61: {  	_ =	shalt  }
0x62: {  	_ =	shalt  }
0x63: {  	_ =	shalt  }
0x64: {  	_ =	shalt  }
0x65: {  	_ =	shalt  }
0x66: {  	_ =	shalt  }
0x67: {  	_ =	shalt  }
0x68: {  	_ =	shalt  }
0x69: {  	_ =	shalt  }
0x6a: {  	_ =	shalt  }
0x6b: {  	_ =	shalt  }
0x6c: {  	_ =	shalt  }
0x6d: {  	_ =	shalt  }
0x6e: {  	_ =	shalt  }
0x6f: {  	_ =	shalt  }
0x70: {  	_ =	shalt  }
0x71: {  	_ =	shalt  }
0x72: {  	_ =	shalt  }
0x73: {  	_ =	shalt  }
0x74: {  	_ =	shalt  }
0x75: {  	_ =	shalt  }
0x76: {  	_ =	shalt  }
0x77: {  	_ =	shalt  }
0x78: {  	_ =	shalt  }
0x79: {  	_ =	shalt  }
0x7a: {  	_ =	shalt  }
0x7b: {  	_ =	shalt  }
0x7c: {  	_ =	shalt  }
0x7d: {  	_ =	shalt  }
0x7e: {  	_ =	shalt  }
0x7f: {  	_ =	shalt  }
0x80: {  	_ =	shalt  }
0x81: {  	_ =	shalt  }
0x82: {  	_ =	shalt  }
0x83: {  	_ =	shalt  }
0x84: {  	_ =	shalt  }
0x85: {  	_ =	shalt  }
0x86: {  	_ =	shalt  }
0x87: {  	_ =	shalt  }
.Lfunc_end0:
.L_simem_size_0:
called_computation.1_lowered:
.L_overlay_start_0:
0x88: {  	s2 =	sld [smem:$0x3FD9]  }
0x89: {  	s3 =	sld [smem:$0x3FFE];
	_ =	sdelay $0x1  }
0x8a: {  	s1 =	srdreg.scid  }
0x8b: {  	s0 =	sand.u32 $0x1, s1  }
0x8c: {  	s17 =	sshll.u32 s0, $0xA;
	s2 =	sadd.s32 s3, s2  }
0x8d: {  	s2 =	sadd.s32 s2, s17  }
0x8e: {  	[smem:$0x3FC2] =	sst s2  }
0x8f: {  	_ = 	snop  }
0x90: {  	s2 =	sld [smem:$0x3FD0];
	(tm) =	ssettm $0x1  }
0x91: {  	s18 =	sld [smem:$0x3FFB];
	_ =	sdelay $0x3  }
0x92: {  	_ =	strace s18  }
0x93: {  	s3 =	sld [smem:$0x3FFC];
	_ =	sdelay $0x3  }
0x94: {  	_ =	strace s3  }
0x95: {  	s3 =	sld [smem:$0x3FFD];
	_ =	sdelay $0x3  }
0x96: {  	_ =	strace s3  }
0x97: {  	_ =	strace $0x8FFFFFFF  }
0x98: {  	s19 =	sld [smem:$0x3FDB];
	_ =	sdelay $0x1  }
0x99: {  	s4 =	simm.s32 $_scs_section_size  }
0x9a: {  	s5 =	simm.s32 $_size__tile_overlayer_lowered;
	s6 =	simm.s32 $_tile_overlayer_lowered  }
0x9b: {  	s22 =	simm.s32 $0x1BFF;
	s21 =	sshll.u32 s6, $0x1;
	s3 =	sadd.s32 s4, s19  }
0x9c: {  	s7 =	simm.s32 $0x0;
	s20 =	sshll.u32 s5, $0x1;
	s5 =	sadd.s32 s21, s3  }
0x9d: {  	[timem:s7], [sflag:s22] =	dma.local [hbm:s5], s20  }
0x9e: {  	_ =	swait.ge [sflag:s22], s20  }
0x9f: {  	s4 =	ssub.s32 $0x0, s20;
	[sflag:s22] =	ssyncset.done $0x0  }
0xa0: {  	[sflag:s22] =	ssyncadd.s32 s4;
	_ =	sdelay $0x1  }
0xa1: {  	s23 =	simm.s32 $0x1B8B  }
0xa2: {  	_ =	swait.ge [sflag:s23], $0x1  }
0xa3: {  	[sflag:s23] =	ssyncset.done $0x0  }
0xa4: {  	s25 =	simm.s32 $0x1B8E;
	s24 =	sld [smem:$0x3FFE];
	[sflag:s23] =	ssyncadd.s32 $0xFFFFFFFF  }
0xa5: {  	s26 =	simm.s32 $execute0_lowered;
	[smem:$0x3FD2] =	sst s25  }
0xa6: {  	s5 =	sshll.u32 s26, $0x1;
	_ =	strace $0x80000049;
	[dreg:$0x1] =	wrdreg $0xFFFFFFFF  }
0xa7: {  	s28 =	simm.s32 $_size_execute0_lowered;
	s3 =	sadd.s32 s3, s5;
	[dreg:$0x0] =	wrdreg $0x0  }
0xa8: {  	s5 =	sshll.u32 s28, $0x1;
	[dreg:$0x2] =	wrdreg s3  }
0xa9: {  	[dreg:$0x3] =	wrdreg s5  }
0xaa: {  	[dreg:$0x4] =	wrdreg $0xC0  }
0xab: {  	_ =	task [dreg:s7], $0x5FFFF  }
0xac: {  	[dreg:$0x1] =	wrdreg $0xFFFFFFFF  }
0xad: {  	[dreg:$0x0] =	wrdreg $0x60  }
0xae: {  	[dreg:$0x2] =	wrdreg s24  }
0xaf: {  	[dreg:$0x3] =	wrdreg s2  }
0xb0: {  	[dreg:$0x4] =	wrdreg $0x28A00  }
0xb1: {  	[dreg:$0x5] =	wrdreg $0x9  }
0xb2: {  	_ =	task.clear_ibuf [dreg:s7], $0x6FFFF;
	_ =	strace $0x90000049  }
0xb3: {  	s29 =	simm.s32 $0x9;
	_ =	strace $0x8000004B  }
0xb4: {  	_ =	swait.ge [sflag:s29], $0x1  }
0xb5: {  	[sflag:s29] =	ssyncadd.s32 $0xFFFFFFFF  }
0xb6: {  	_ =	strace $0x9000004B  }
0xb7: {  	_ =	sfence  }
0xb8: {  	s30 =	sld [smem:$0x0];
	_ =	sdelay $0x2  }
0xb9: {  	s31 =	sshll.u32 s1, $0xD;
	s1 =	sshrl.u32 s1, $0x2  }
0xba: {  	s3 =	sand.u32 $0x4000, s31;
	s1 =	sadd.s32 s1, s30  }
0xbb: {  	s0 =	sor.u32 s3, s0;
	s1 =	sshll.u32 s1, $0x11  }
0xbc: {  	s0 =	sor.u32 s1, s0  }
0xbd: {  	s0 =	sadd.s32 $0x8F2B, s0  }
0xbe: {  	[sflag:s0] =	ssyncadd.remote.s32 $0x1  }
0xbf: {  	_ =	sfence.sel $0xFFFF  }
0xc0: {  	[dreg:$0x0] =	wrdreg $0xFFFFFFFF;
	(pc) =	sbr.abs _section_cstart, $3  }
0xc1: {  	[dreg:$0x1] =	wrdreg $0xFFFFFFFF  }
0xc2: {  	_ =	task.clear_ibuf [dreg:s7], $0x2FFFF;
	_ =	strace $0x9FFFFFFF  }
0xc3: {  	(tm) =	ssettm $0x7FFFFFFF  }
tec
execute0_lowered:
.L_overlay_start_1:
0x0: {  	(tag) =	ssettag $0x1  }
0x1: {  	s0 =	rddreg [dreg:$0x0]  }
0x2: {  	s22 =	rddreg [dreg:$0x1]  }
0x3: {  	s1 =	rddreg [dreg:$0x2];
	s14 =	stileid.u32  }
0x4: {  	s2 =	srdreg.scid;
	s6 =	smul.u32 $0x2710, s14  }
0x5: {  	s3 =	simm.s32 $0x0;
	s9 =	sand.u32 $0x1, s2;
	s12 =	smul.u32 $0x14000, s14  }
0x6: {  	[smem:$0x7FF] =	sst s3;
	s4 =	sadd.s32 $0xB800, s0;
	s5 =	smul.u32 $0x27100, s9  }
0x7: {  	_ =	strace $0x8000004A;
	s15 =	ssub.s32 $0x2, s9;
	s17 =	smul.u32 $0x140000, s9  }
0x8: {  	s16 =	sshrl.u32 s15, $0x1;
	s13 =	sor.u32 $0x2800, s12;
	s14 =	sadd.s32 $0x5000, s12  }
0x9: {  	s18 =	sadd.s32 $0xC800, s12;
	s19 =	sadd.s32 $0xF000, s12;
	s5 =	sadd.s32 s6, s5  }
0xa: {  	s21 =	ssub.s32 s15, s16;
	s6 =	sadd.s32 s13, s1;
	s7 =	sadd.s32 s14, s1  }
0xb: {  	s15 =	sadd.s32 $0x7800, s12;
	s16 =	sadd.s32 $0xA000, s12;
	s10 =	sadd.s32 s18, s1  }
0xc: {  	s11 =	sadd.s32 s19, s1;
	s20 =	sadd.s32 s12, s17;
	s25 =	sadd.s32 s17, s13  }
0xd: {  	s26 =	sadd.s32 s17, s14;
	s18 =	sadd.s32 s17, s18;
	s19 =	sadd.s32 s17, s19  }
0xe: {  	s23 =	sshrl.u32 s5, $0x3;
	s5 =	sadd.s32 s12, s1;
	s8 =	sadd.s32 s15, s1  }
0xf: {  	s9 =	sadd.s32 s16, s1;
	s12 =	sadd.s32 $0x11800, s12;
	s20 =	sshrl.u32 s20, $0x3  }
0x10: {  	s15 =	sadd.s32 s17, s15;
	s28 =	sadd.s32 s17, s16;
	s18 =	sshrl.u32 s18, $0x3  }
0x11: {  	s19 =	sshrl.u32 s19, $0x3;
	s21 =	smax.u32 s21, $0x1;
	s24 =	sadd.s32 s23, s0  }
0x12: {  	s0 =	sadd.s32 $0x33800, s0;
	s29 =	sadd.s32 s17, s12;
	s12 =	sadd.s32 s12, s1  }
0x13: {  	s30 =	sshrl.u32 s28, $0x3;
	s22 =	sadd.s32 s23, s22;
	s28 =	simm.s32 $0x1  }
0x14: {  	s17 =	sadd.s32 s0, s20;
	s20 =	sshrl.u32 s25, $0x3;
	s25 =	sshrl.u32 s26, $0x3  }
0x15: {  	s26 =	sshrl.u32 s15, $0x3;
	s18 =	sadd.s32 s0, s18;
	s19 =	sadd.s32 s0, s19  }
0x16: {  	s31 =	sshrl.u32 s29, $0x3;
	s23 =	sadd.s32 $0x1A00, s24;
	s24 =	simm.s32 $0xA0  }
0x17: {  	s29 =	simm.s32 $0x0;
	[dreg:$0x4] =	wrdreg s17;
	s14 =	sadd.s32 s0, s20  }
0x18: {  	s15 =	sadd.s32 s0, s25;
	s16 =	sadd.s32 s0, s26;
	s17 =	sadd.s32 s0, s30  }
0x19: {  	v0 =	vimm.f32 $0.0e+00;
	s20 =	sadd.s32 s0, s31;
	s25 =	simm.s32 $0x2;
	s26 =	simm.s32 $0x50  }
.LBB2_1:
0x1a: {  	s0 =	sand.u32 $0xFE00, s3  }
0x1b: {  	s31 =	sand.u32 $0x70, s3;
	s0 =	sshrl.u32 s0, $0x2  }
0x1c: {  	s30 =	simm.s32 $0x40;
	s0 =	sor.u32 s31, s0;
	s31 =	simm.s32 $0x0  }
.LBB2_2:
0x1d: {  	p0 =	sne.s32 s30, $0x9FC0  }
0x1e: {  	[tilespmem:s0+$0xA0] =	vst v0;
	s31 =	sadd.s32 $0x10, s31;
	s0 =	smov.u32 s30;
	s30 =	sadd.s32 $0x40, s30  }
.Ltmp0:
0x1f: {  	(pc) =	sbr.rel @p0 .LBB2_2-.Ltmp0, $4  }
0x20: {  	_ = 	snop  }
0x21: {  	s0 =	sand.u32 $0xFE00, s0  }
0x22: {  	s2 =	sand.u32 $0x70, s31;
	s0 =	sshrl.u32 s0, $0x2  }
0x23: {  	s0 =	sor.u32 s2, s0  }
0x24: {  	[tilespmem:s0+$0xA0] =	vst v0  }
0x25: {  	[spmem:s5] =	stream.linear.scatter [tilespmem:s24], [sflag:$0x2], $0x2800, $0x38;
	[tilespmem:$0x168A0] =	vst v63  }
0x26: {  	_ =	swait.ge [sflag:s25], $0x2800  }
0x27: {  	[sflag:s25] =	ssyncset.done $0x0  }
0x28: {  	[sflag:s25] =	ssyncadd.s32 $0xFFFFD800  }
0x29: {  	[spmem:s6] =	stream.linear.scatter [tilespmem:s24], [sflag:$0x2], $0x2800, $0x38;
	[tilespmem:$0x168A0] =	vst v63  }
0x2a: {  	_ =	swait.ge [sflag:s25], $0x2800  }
0x2b: {  	[sflag:s25] =	ssyncset.done $0x0  }
0x2c: {  	[sflag:s25] =	ssyncadd.s32 $0xFFFFD800  }
0x2d: {  	[spmem:s7] =	stream.linear.scatter [tilespmem:s24], [sflag:$0x2], $0x2800, $0x38;
	[tilespmem:$0x168A0] =	vst v63  }
0x2e: {  	_ =	swait.ge [sflag:s25], $0x2800  }
0x2f: {  	[sflag:s25] =	ssyncset.done $0x0  }
0x30: {  	[sflag:s25] =	ssyncadd.s32 $0xFFFFD800  }
0x31: {  	[spmem:s8] =	stream.linear.scatter [tilespmem:s24], [sflag:$0x2], $0x2800, $0x38;
	[tilespmem:$0x168A0] =	vst v63  }
0x32: {  	_ =	swait.ge [sflag:s25], $0x2800  }
0x33: {  	[sflag:s25] =	ssyncset.done $0x0  }
0x34: {  	[sflag:s25] =	ssyncadd.s32 $0xFFFFD800  }
0x35: {  	[spmem:s9] =	stream.linear.scatter [tilespmem:s24], [sflag:$0x2], $0x2800, $0x38;
	[tilespmem:$0x168A0] =	vst v63  }
0x36: {  	_ =	swait.ge [sflag:s25], $0x2800  }
0x37: {  	[sflag:s25] =	ssyncset.done $0x0  }
0x38: {  	[sflag:s25] =	ssyncadd.s32 $0xFFFFD800  }
0x39: {  	[spmem:s10] =	stream.linear.scatter [tilespmem:s24], [sflag:$0x2], $0x2800, $0x38;
	[tilespmem:$0x168A0] =	vst v63  }
0x3a: {  	_ =	swait.ge [sflag:s25], $0x2800  }
0x3b: {  	[sflag:s25] =	ssyncset.done $0x0  }
0x3c: {  	[sflag:s25] =	ssyncadd.s32 $0xFFFFD800  }
0x3d: {  	[spmem:s11] =	stream.linear.scatter [tilespmem:s24], [sflag:$0x2], $0x2800, $0x38;
	[tilespmem:$0x168A0] =	vst v63  }
0x3e: {  	_ =	swait.ge [sflag:s25], $0x2800  }
0x3f: {  	[sflag:s25] =	ssyncset.done $0x0  }
0x40: {  	[sflag:s25] =	ssyncadd.s32 $0xFFFFD800  }
0x41: {  	[spmem:s12] =	stream.linear.scatter [tilespmem:s24], [sflag:$0x2], $0x2800, $0x38;
	[tilespmem:$0x168A0] =	vst v63  }
0x42: {  	_ =	swait.ge [sflag:s25], $0x2800  }
0x43: {  	[sflag:s25] =	ssyncset.done $0x0  }
0x44: {  	[sflag:s25] =	ssyncadd.s32 $0xFFFFD800  }
0x45: {  	s2 =	sadd.s32 $0x0, s23;
	[bflag:$0x0] =	sbarrier.arrive $0xFFFF  }
0x46: {  	[tilespmem:s3], [sflag:$0x2] =	stream.linear.gather [hbm4b:s2+s3], $0x50, $0x38;
	[tilespmem:$0x168A0] =	vst v63  }
0x47: {  	_ =	swait.ge [sflag:s25], $0x50  }
0x48: {  	[sflag:s25] =	ssyncset.done $0x0  }
0x49: {  	s13 =	sadd.s32 $0x0, s22;
	[sflag:s25] =	ssyncadd.s32 $0xFFFFFFB0  }
0x4a: {  	[tilespmem:s26], [sflag:$0x2] =	stream.linear.gather [hbm4b:s13+s3], $0x50, $0x38;
	[tilespmem:$0x168A0] =	vst v63  }
0x4b: {  	_ =	swait.ge [sflag:s25], $0x50  }
0x4c: {  	[sflag:s25] =	ssyncset.done $0x0  }
0x4d: {  	[sflag:s25] =	ssyncadd.s32 $0xFFFFFFB0  }
0x4e: {  	[tilespmem:s24], [sflag:$0x1] =	stream.indirect.gather [hbm4b:s4+s26], $0x80, s3, s26, $0xb8;
	[tilespmem:$0x168A0] =	vst v63  }
0x4f: {  	_ =	swait.ge [sflag:s28], $0x2800  }
0x50: {  	[sflag:s28] =	ssyncset.done $0x0  }
0x51: {  	[sflag:s28] =	ssyncadd.s32 $0xFFFFD800  }
0x52: {  	[spmem:s1] =	stream.indirect.scatter.add.f32 [tilespmem:s24], [sflag:$0x2], $0x80, s26, s26, $0xb8;
	[tilespmem:$0x168A0] =	vst v63  }
0x53: {  	_ =	swait.ge [sflag:s25], $0x2800  }
0x54: {  	s30 =	simm.s32 $0xA;
	s31 =	simm.s32 $0x14;
	[sflag:s25] =	ssyncset.done $0x0  }
.LBB2_4:
0x55: {  	s0 =	sadd.s32 s30, s23  }
0x56: {  	[sflag:s25] =	ssyncadd.s32 $0xFFFFD800;
	s2 =	smov.u32 s31;
	s13 =	sadd.s32 $0xA, s31  }
0x57: {  	[tilespmem:s3], [sflag:$0x2] =	stream.linear.gather [hbm4b:s0+s3], $0x50, $0x38;
	[tilespmem:$0x168A0] =	vst v63  }
0x58: {  	p0 =	sne.s32 s31, $0x4D8;
	_ =	swait.ge [sflag:s25], $0x50  }
0x59: {  	[sflag:s25] =	ssyncset.done $0x0  }
0x5a: {  	s0 =	sadd.s32 s30, s22;
	s30 =	smov.u32 s2;
	[sflag:s25] =	ssyncadd.s32 $0xFFFFFFB0  }
0x5b: {  	[tilespmem:s26], [sflag:$0x2] =	stream.linear.gather [hbm4b:s0+s3], $0x50, $0x38;
	[tilespmem:$0x168A0] =	vst v63  }
0x5c: {  	_ =	swait.ge [sflag:s25], $0x50  }
0x5d: {  	[sflag:s25] =	ssyncset.done $0x0  }
0x5e: {  	[sflag:s25] =	ssyncadd.s32 $0xFFFFFFB0  }
0x5f: {  	[tilespmem:s24], [sflag:$0x1] =	stream.indirect.gather [hbm4b:s4+s26], $0x80, s3, s26, $0xb8;
	[tilespmem:$0x168A0] =	vst v63  }
0x60: {  	_ =	swait.ge [sflag:s28], $0x2800  }
.Ltmp1:
0x61: {  	[sflag:s28] =	ssyncset.done $0x0;
	(pc) =	sbr.rel @p0 .LBB2_4-.Ltmp1, $4  }
0x62: {  	[sflag:s28] =	ssyncadd.s32 $0xFFFFD800  }
0x63: {  	[spmem:s1] =	stream.indirect.scatter.add.f32 [tilespmem:s24], [sflag:$0x2], $0x80, s26, s26, $0xb8;
	[tilespmem:$0x168A0] =	vst v63  }
0x64: {  	_ =	swait.ge [sflag:s25], $0x2800  }
0x65: {  	s31 =	smov.u32 s13;
	[sflag:s25] =	ssyncset.done $0x0  }
0x66: {  	s0 =	sadd.s32 s30, s23;
	[sflag:s25] =	ssyncadd.s32 $0xFFFFD800  }
0x67: {  	[tilespmem:s3], [sflag:$0x2] =	stream.linear.gather [hbm4b:s0+s3], $0x50, $0x38;
	[tilespmem:$0x168A0] =	vst v63  }
0x68: {  	_ =	swait.ge [sflag:s25], $0x50  }
0x69: {  	[sflag:s25] =	ssyncset.done $0x0  }
0x6a: {  	s13 =	sadd.s32 s30, s22;
	[sflag:s25] =	ssyncadd.s32 $0xFFFFFFB0  }
0x6b: {  	[tilespmem:s26], [sflag:$0x2] =	stream.linear.gather [hbm4b:s13+s3], $0x50, $0x38;
	[tilespmem:$0x168A0] =	vst v63  }
0x6c: {  	_ =	swait.ge [sflag:s25], $0x50  }
0x6d: {  	[sflag:s25] =	ssyncset.done $0x0  }
0x6e: {  	[sflag:s25] =	ssyncadd.s32 $0xFFFFFFB0  }
0x6f: {  	[tilespmem:s24], [sflag:$0x1] =	stream.indirect.gather [hbm4b:s4+s26], $0x80, s3, s26, $0xb8;
	[tilespmem:$0x168A0] =	vst v63  }
0x70: {  	_ =	swait.ge [sflag:s28], $0x2800  }
0x71: {  	[sflag:s28] =	ssyncset.done $0x0  }
0x72: {  	[sflag:s28] =	ssyncadd.s32 $0xFFFFD800  }
0x73: {  	[spmem:s1] =	stream.indirect.scatter.add.f32 [tilespmem:s24], [sflag:$0x2], $0x80, s26, s26, $0xb8;
	[tilespmem:$0x168A0] =	vst v63  }
0x74: {  	_ =	swait.ge [sflag:s25], $0x2800  }
0x75: {  	[sflag:s25] =	ssyncset.done $0x0  }
0x76: {  	s30 =	stileid.u32;
	[sflag:s25] =	ssyncadd.s32 $0xFFFFD800  }
0x77: {  	s0 =	sshll.u32 s30, $0x6;
	[bflag:$0x0] =	sbarrier.arrive $0xFFFF  }
0x78: {  	s2 =	sshrl.u32 s5, $0x3;
	s0 =	sor.u32 $0x1C02, s0;
	s13 =	rddreg [dreg:$0x4]  }
0x79: {  	[hbm:s13], [sflag:s0] =	dma.local [spmem:s2], $0x500  }
0x7a: {  	_ =	swait.ge [sflag:s25], $0x500  }
0x7b: {  	[sflag:s25] =	ssyncset.done $0x0  }
0x7c: {  	s31 =	sshrl.u32 s6, $0x3;
	[sflag:s25] =	ssyncadd.s32 $0xFFFFFB00  }
0x7d: {  	[hbm:s14], [sflag:s0] =	dma.local [spmem:s31], $0x500  }
0x7e: {  	_ =	swait.ge [sflag:s25], $0x500  }
0x7f: {  	[sflag:s25] =	ssyncset.done $0x0  }
0x80: {  	s13 =	sshrl.u32 s7, $0x3;
	[sflag:s25] =	ssyncadd.s32 $0xFFFFFB00  }
0x81: {  	[hbm:s15], [sflag:s0] =	dma.local [spmem:s13], $0x500  }
0x82: {  	_ =	swait.ge [sflag:s25], $0x500  }
0x83: {  	[sflag:s25] =	ssyncset.done $0x0  }
0x84: {  	s30 =	sshrl.u32 s8, $0x3;
	[sflag:s25] =	ssyncadd.s32 $0xFFFFFB00  }
0x85: {  	[hbm:s16], [sflag:s0] =	dma.local [spmem:s30], $0x500  }
0x86: {  	_ =	swait.ge [sflag:s25], $0x500  }
0x87: {  	[sflag:s25] =	ssyncset.done $0x0  }
0x88: {  	s31 =	sshrl.u32 s9, $0x3;
	[sflag:s25] =	ssyncadd.s32 $0xFFFFFB00  }
0x89: {  	[hbm:s17], [sflag:s0] =	dma.local [spmem:s31], $0x500  }
0x8a: {  	_ =	swait.ge [sflag:s25], $0x500  }
0x8b: {  	[sflag:s25] =	ssyncset.done $0x0  }
0x8c: {  	s13 =	sshrl.u32 s10, $0x3;
	[sflag:s25] =	ssyncadd.s32 $0xFFFFFB00  }
0x8d: {  	[hbm:s18], [sflag:s0] =	dma.local [spmem:s13], $0x500  }
0x8e: {  	_ =	swait.ge [sflag:s25], $0x500  }
0x8f: {  	[sflag:s25] =	ssyncset.done $0x0  }
0x90: {  	s30 =	sshrl.u32 s11, $0x3;
	[sflag:s25] =	ssyncadd.s32 $0xFFFFFB00  }
0x91: {  	[hbm:s19], [sflag:s0] =	dma.local [spmem:s30], $0x500  }
0x92: {  	s29 =	sadd.s32 $0x1, s29;
	_ =	swait.ge [sflag:s25], $0x500  }
0x93: {  	p0 =	sne.s32 s29, s21;
	[sflag:s25] =	ssyncset.done $0x0  }
.Ltmp2:
0x94: {  	s31 =	sshrl.u32 s12, $0x3;
	[sflag:s25] =	ssyncadd.s32 $0xFFFFFB00;
	(pc) =	sbr.rel @p0 .LBB2_1-.Ltmp2, $4  }
0x95: {  	[hbm:s20], [sflag:s0] =	dma.local [spmem:s31], $0x500  }
0x96: {  	_ =	swait.ge [sflag:s25], $0x500  }
0x97: {  	[sflag:s25] =	ssyncset.done $0x0  }
0x98: {  	[sflag:s25] =	ssyncadd.s32 $0xFFFFFB00  }
0x99: {  	_ =	sfence.sel $0x180000  }
0x9a: {  	[bflag:$0x0] =	sbarrier.arrive $0xFFFF  }
0x9b: {  	_ =	strace $0x9000004A  }
0x9c: {  	s0 =	stileid.u32;
	[bflag:$0x2] =	sbarrier.arrive $0xFFFF  }
0x9d: {  	p0 =	sne.s32 s0, $0x0;
	s0 =	rddreg [dreg:$0x3]  }
0x9e: {  	s0 =	sadd.s32 @!p0 $0x100000, s0  }
0x9f: {  	[sflag:s0] =	ssyncadd.tile.s32 @!p0 $0x1;
	_ =	shalt  }
.Lfunc_end2:
_tile_overlayer_lowered:
.L_overlay_start_2:
0xa0: {  	(tag) =	ssettag $0x2  }
0xa1: {  	s0 =	rddreg [dreg:$0x0];
	s2 =	stileid.u32  }
0xa2: {  	s1 =	rddreg [dreg:$0x1];
	p0 =	sne.s32 s2, $0x0  }
0xa3: {  	s3 =	rddreg [dreg:$0x2];
	[bflag:$0x3] =	sbarrier.arrive $0xFFFF;
	s2 =	simm.s32 @!p0 $0x1C02  }
0xa4: {  	[timem:s3], [sflag:s2] =	dma.local @!p0 [hbm:s0], s1  }
0xa5: {  	s0 =	simm.s32 @!p0 $0x2  }
0xa6: {  	_ =	swait.ge @!p0 [sflag:s0], s1  }
0xa7: {  	s1 =	ssub.s32 @!p0 $0x0, s1;
	[sflag:s0] =	ssyncset.done @!p0 $0x0  }
0xa8: {  	[sflag:s0] =	ssyncadd.s32 @!p0 s1  }
0xa9: {  	[bflag:$0x3] =	sbarrier.arrive $0xFFFF  }
0xaa: {  	_ =	shalt  }

// kernel: kernel.14.cloned.1.call-start
scs
__scs_entry_jumppad:
0x0: {  	(pc) =	sbr.rel $0x88, $3  }
0x1: {  	(tag) =	ssettag $0x0;
	lr =	simm.s32 $0x1  }
0x2: {  	[smem:$0x3F9B] =	sst lr;
	_ =	strace $0xD0000000  }
0x3: {  	_ = 	snop  }
0x4: {  	_ = 	snop  }
0x5: {  	_ = 	snop  }
0x6: {  	_ = 	snop  }
0x7: {  	_ = 	snop  }
__scs_overlays_trampoline_lowered:
0x8: {  	[smem:$0x3FAA] =	sst s0  }
0x9: {  	[smem:$0x3FAB] =	sst s1  }
0xa: {  	[smem:$0x3FAC] =	sst s2  }
0xb: {  	[smem:$0x3FAD] =	sst s3  }
0xc: {  	[smem:$0x3FAE] =	sst s4  }
0xd: {  	[smem:$0x3FAF] =	sst s5  }
0xe: {  	[smem:$0x3FB0] =	sst s6  }
0xf: {  	[smem:$0x3FB1] =	sst s7  }
0x10: {  	[smem:$0x3FB2] =	sst s8  }
0x11: {  	[smem:$0x3FB3] =	sst s9;
	s0 =	simm.s32 @!p0 $0x0  }
0x12: {  	s1 =	sld [smem:$0x3F99];
	s0 =	simm.s32 @p0 $0x1  }
0x13: {  	[smem:$0x3FB4] =	sst s0;
	s0 =	simm.s32 @!p1 $0x0  }
0x14: {  	s2 =	sld [smem:$0x3F98];
	s0 =	simm.s32 @p1 $0x1  }
0x15: {  	[smem:$0x3FB5] =	sst s0;
	s0 =	simm.s32 @!p2 $0x0  }
0x16: {  	s3 =	sld [smem:$0x3FDB];
	s0 =	simm.s32 @p2 $0x1  }
0x17: {  	s4 =	simm.s32 $0x1BF5;
	[smem:$0x3FB7] =	sst s0  }
0x18: {  	s0 =	sld [smem:$0x3F9A];
	_ =	swait.ge [sflag:s4], $0x0  }
0x19: {  	s7 =	sld [smem:$0x3F9B]  }
0x1a: {  	s8 =	sadd.s32 $0xFFFFE003, lr  }
0x1b: {  	s9 =	sadd.s32 $0xFFFFFEF7, lr;
	s5 =	simm.s32 $0xFFFFFFFF;
	p2 =	slt.u32 s8, $0xFFFFF086  }
0x1c: {  	p1 =	slt.u32 s9, $0xF7A;
	s5 =	simm.s32 @!p2 $0x0  }
0x1d: {  	s5 =	simm.s32 @p1 $0x1;
	p0 =	seq.s32 s7, s2  }
0x1e: {  	s7 =	smul.u32 @!p0 $0xF7A, s2;
	p2 =	seq.s32 @!p0 s5, $0x0  }
0x1f: {  	s9 =	smul.u32 $0xF7A, s1;
	s8 =	simm.s32 @!p0 $0x1BF5;
	p2 =	por !p2, p0  }
0x20: {  	[sflag:s8] =	ssyncset.s32 @!p0 $0xFFFFF086;
	s6 =	sadd.s32 @!p0 s3, s7;
	s7 =	simm.s32 @!p0 $0x108  }
0x21: {  	s3 =	sadd.s32 s3, s9;
	s6 =	sadd.s32 @!p0 $0x88, s6;
	s7 =	simm.s32 @p2 $0x1082  }
0x22: {  	[simem:s7], [sflag:s8] =	dma.local @!p0 [hbm:s6], $0xF7A  }
0x23: {  	s9 =	sor.u32 $0xD0000000, s2;
	s6 =	simm.s32 $0x108;
	_ =	swait.ge @!p0 [sflag:s8], $0x0  }
0x24: {  	s3 =	sadd.s32 $0x88, s3;
	s6 =	simm.s32 @!p1 $0x1082;
	[sflag:s4] =	ssyncset.s32 $0xFFFFF086  }
0x25: {  	[simem:s6], [sflag:s4] =	dma.local [hbm:s3], $0xF7A  }
0x26: {  	[smem:$0x3F9B] =	sst s1;
	(tag) =	ssettag s2;
	_ =	strace s9  }
0x27: {  	s1 =	sld [smem:$0x3FAB]  }
0x28: {  	s2 =	sld [smem:$0x3FAC]  }
0x29: {  	s4 =	sld [smem:$0x3FAE]  }
0x2a: {  	p0 =	seq.s32 s5, $0x0;
	s5 =	sld [smem:$0x3FAF]  }
0x2b: {  	s6 =	sld [smem:$0x3FB0]  }
0x2c: {  	s7 =	sld [smem:$0x3FB1]  }
0x2d: {  	s3 =	simm.s32 $0x108;
	s8 =	sld [smem:$0x3FB2]  }
0x2e: {  	s3 =	simm.s32 @!p0 $0x1082;
	s9 =	sld [smem:$0x3FB3]  }
0x2f: {  	lr =	sadd.s32 s0, s3;
	s0 =	sld [smem:$0x3FAA]  }
0x30: {  	s3 =	sld [smem:$0x3FAD]  }
0x31: {  	[smem:$0x3FB6] =	sst s10  }
0x32: {  	s10 =	sld [smem:$0x3FB4];
	_ =	sdelay $0x3  }
0x33: {  	p0 =	seq.s32 s10, $0x1;
	s10 =	sld [smem:$0x3FB6];
	_ =	sdelay $0x3  }
0x34: {  	[smem:$0x3FB6] =	sst s10  }
0x35: {  	s10 =	sld [smem:$0x3FB5];
	_ =	sdelay $0x3  }
0x36: {  	p1 =	seq.s32 s10, $0x1;
	s10 =	sld [smem:$0x3FB6];
	_ =	sdelay $0x3  }
0x37: {  	[smem:$0x3FB6] =	sst s10  }
0x38: {  	s10 =	sld [smem:$0x3FB7]  }
0x39: {  	_ = 	snop;
	(pc) =	sbr.ind lr, $3  }
0x3a: {  	_ = 	snop  }
0x3b: {  	_ = 	snop  }
0x3c: {  	p2 =	seq.s32 s10, $0x1;
	s10 =	sld [smem:$0x3FB6]  }
0x3d: {  	_ =	shalt  }
0x3e: {  	_ =	shalt  }
0x3f: {  	_ =	shalt  }
0x40: {  	_ =	shalt  }
0x41: {  	_ =	shalt  }
0x42: {  	_ =	shalt  }
0x43: {  	_ =	shalt  }
0x44: {  	_ =	shalt  }
0x45: {  	_ =	shalt  }
0x46: {  	_ =	shalt  }
0x47: {  	_ =	shalt  }
0x48: {  	_ =	shalt  }
0x49: {  	_ =	shalt  }
0x4a: {  	_ =	shalt  }
0x4b: {  	_ =	shalt  }
0x4c: {  	_ =	shalt  }
0x4d: {  	_ =	shalt  }
0x4e: {  	_ =	shalt  }
0x4f: {  	_ =	shalt  }
0x50: {  	_ =	shalt  }
0x51: {  	_ =	shalt  }
0x52: {  	_ =	shalt  }
0x53: {  	_ =	shalt  }
0x54: {  	_ =	shalt  }
0x55: {  	_ =	shalt  }
0x56: {  	_ =	shalt  }
0x57: {  	_ =	shalt  }
0x58: {  	_ =	shalt  }
0x59: {  	_ =	shalt  }
0x5a: {  	_ =	shalt  }
0x5b: {  	_ =	shalt  }
0x5c: {  	_ =	shalt  }
0x5d: {  	_ =	shalt  }
0x5e: {  	_ =	shalt  }
0x5f: {  	_ =	shalt  }
0x60: {  	_ =	shalt  }
0x61: {  	_ =	shalt  }
0x62: {  	_ =	shalt  }
0x63: {  	_ =	shalt  }
0x64: {  	_ =	shalt  }
0x65: {  	_ =	shalt  }
0x66: {  	_ =	shalt  }
0x67: {  	_ =	shalt  }
0x68: {  	_ =	shalt  }
0x69: {  	_ =	shalt  }
0x6a: {  	_ =	shalt  }
0x6b: {  	_ =	shalt  }
0x6c: {  	_ =	shalt  }
0x6d: {  	_ =	shalt  }
0x6e: {  	_ =	shalt  }
0x6f: {  	_ =	shalt  }
0x70: {  	_ =	shalt  }
0x71: {  	_ =	shalt  }
0x72: {  	_ =	shalt  }
0x73: {  	_ =	shalt  }
0x74: {  	_ =	shalt  }
0x75: {  	_ =	shalt  }
0x76: {  	_ =	shalt  }
0x77: {  	_ =	shalt  }
0x78: {  	_ =	shalt  }
0x79: {  	_ =	shalt  }
0x7a: {  	_ =	shalt  }
0x7b: {  	_ =	shalt  }
0x7c: {  	_ =	shalt  }
0x7d: {  	_ =	shalt  }
0x7e: {  	_ =	shalt  }
0x7f: {  	_ =	shalt  }
0x80: {  	_ =	shalt  }
0x81: {  	_ =	shalt  }
0x82: {  	_ =	shalt  }
0x83: {  	_ =	shalt  }
0x84: {  	_ =	shalt  }
0x85: {  	_ =	shalt  }
0x86: {  	_ =	shalt  }
0x87: {  	_ =	shalt  }
.Lfunc_end0:
.L_simem_size_0:
called_computation.2_lowered:
.L_overlay_start_0:
0x88: {  	s2 =	sld [smem:$0x3FD9]  }
0x89: {  	s3 =	sld [smem:$0x3FFE];
	_ =	sdelay $0x1  }
0x8a: {  	s1 =	srdreg.scid  }
0x8b: {  	s0 =	sand.u32 $0x1, s1  }
0x8c: {  	s17 =	sshll.u32 s0, $0xA;
	s2 =	sadd.s32 s3, s2  }
0x8d: {  	s2 =	sadd.s32 s2, s17  }
0x8e: {  	[smem:$0x3FC2] =	sst s2  }
0x8f: {  	_ = 	snop  }
0x90: {  	s2 =	sld [smem:$0x3FD0];
	(tm) =	ssettm $0x1  }
0x91: {  	s18 =	sld [smem:$0x3FFB];
	_ =	sdelay $0x3  }
0x92: {  	_ =	strace s18  }
0x93: {  	s3 =	sld [smem:$0x3FFC];
	_ =	sdelay $0x3  }
0x94: {  	_ =	strace s3  }
0x95: {  	s3 =	sld [smem:$0x3FFD];
	_ =	sdelay $0x3  }
0x96: {  	_ =	strace s3  }
0x97: {  	_ =	strace $0x8FFFFFFF  }
0x98: {  	s19 =	sld [smem:$0x3FDB];
	_ =	sdelay $0x1  }
0x99: {  	s4 =	simm.s32 $_scs_section_size  }
0x9a: {  	s5 =	simm.s32 $_size__tile_overlayer_lowered;
	s6 =	simm.s32 $_tile_overlayer_lowered  }
0x9b: {  	s22 =	simm.s32 $0x1BFF;
	s21 =	sshll.u32 s6, $0x1;
	s3 =	sadd.s32 s4, s19  }
0x9c: {  	s7 =	simm.s32 $0x0;
	s20 =	sshll.u32 s5, $0x1;
	s5 =	sadd.s32 s21, s3  }
0x9d: {  	[timem:s7], [sflag:s22] =	dma.local [hbm:s5], s20  }
0x9e: {  	_ =	swait.ge [sflag:s22], s20  }
0x9f: {  	s4 =	ssub.s32 $0x0, s20;
	[sflag:s22] =	ssyncset.done $0x0  }
0xa0: {  	[sflag:s22] =	ssyncadd.s32 s4;
	_ =	sdelay $0x1  }
0xa1: {  	s23 =	simm.s32 $0x1B8B  }
0xa2: {  	_ =	swait.ge [sflag:s23], $0x1  }
0xa3: {  	[sflag:s23] =	ssyncset.done $0x0  }
0xa4: {  	s25 =	simm.s32 $0x1B8E;
	s24 =	sld [smem:$0x3FFE];
	[sflag:s23] =	ssyncadd.s32 $0xFFFFFFFF  }
0xa5: {  	s26 =	simm.s32 $execute0_lowered;
	[smem:$0x3FD2] =	sst s25  }
0xa6: {  	s5 =	sshll.u32 s26, $0x1;
	_ =	strace $0x8000004C;
	[dreg:$0x1] =	wrdreg $0xFFFFFFFF  }
0xa7: {  	s28 =	simm.s32 $_size_execute0_lowered;
	s3 =	sadd.s32 s3, s5;
	[dreg:$0x0] =	wrdreg $0x0  }
0xa8: {  	s5 =	sshll.u32 s28, $0x1;
	[dreg:$0x2] =	wrdreg s3  }
0xa9: {  	[dreg:$0x3] =	wrdreg s5  }
0xaa: {  	[dreg:$0x4] =	wrdreg $0xC0  }
0xab: {  	_ =	task [dreg:s7], $0x5FFFF  }
0xac: {  	[dreg:$0x1] =	wrdreg $0xFFFFFFFF  }
0xad: {  	[dreg:$0x0] =	wrdreg $0x60  }
0xae: {  	[dreg:$0x2] =	wrdreg s24  }
0xaf: {  	[dreg:$0x3] =	wrdreg s2  }
0xb0: {  	[dreg:$0x4] =	wrdreg $0x14A00  }
0xb1: {  	[dreg:$0x5] =	wrdreg $0x9  }
0xb2: {  	_ =	task.clear_ibuf [dreg:s7], $0x6FFFF;
	_ =	strace $0x9000004C  }
0xb3: {  	s29 =	simm.s32 $0x9;
	_ =	strace $0x8000004E  }
0xb4: {  	_ =	swait.ge [sflag:s29], $0x1  }
0xb5: {  	[sflag:s29] =	ssyncadd.s32 $0xFFFFFFFF  }
0xb6: {  	_ =	strace $0x9000004E  }
0xb7: {  	_ =	sfence  }
0xb8: {  	s30 =	sld [smem:$0x0];
	_ =	sdelay $0x2  }
0xb9: {  	s31 =	sshll.u32 s1, $0xD;
	s1 =	sshrl.u32 s1, $0x2  }
0xba: {  	s3 =	sand.u32 $0x4000, s31;
	s1 =	sadd.s32 s1, s30  }
0xbb: {  	s0 =	sor.u32 s3, s0;
	s1 =	sshll.u32 s1, $0x11  }
0xbc: {  	s0 =	sor.u32 s1, s0  }
0xbd: {  	s0 =	sadd.s32 $0x8F2B, s0  }
0xbe: {  	[sflag:s0] =	ssyncadd.remote.s32 $0x1  }
0xbf: {  	_ =	sfence.sel $0xFFFF  }
0xc0: {  	[dreg:$0x0] =	wrdreg $0xFFFFFFFF;
	(pc) =	sbr.abs _section_cstart, $3  }
0xc1: {  	[dreg:$0x1] =	wrdreg $0xFFFFFFFF  }
0xc2: {  	_ =	task.clear_ibuf [dreg:s7], $0x2FFFF;
	_ =	strace $0x9FFFFFFF  }
0xc3: {  	(tm) =	ssettm $0x7FFFFFFF  }
tec
execute0_lowered:
.L_overlay_start_1:
0x0: {  	(tag) =	ssettag $0x1  }
0x1: {  	s0 =	rddreg [dreg:$0x0]  }
0x2: {  	s22 =	rddreg [dreg:$0x1]  }
0x3: {  	s1 =	rddreg [dreg:$0x2];
	s14 =	stileid.u32  }
0x4: {  	s2 =	srdreg.scid;
	s6 =	smul.u32 $0x2710, s14  }
0x5: {  	s3 =	simm.s32 $0x0;
	s9 =	sand.u32 $0x1, s2;
	s12 =	smul.u32 $0xA000, s14  }
0x6: {  	[smem:$0x7FF] =	sst s3;
	s4 =	sadd.s32 $0xB800, s0;
	s5 =	smul.u32 $0x27100, s9  }
0x7: {  	_ =	strace $0x8000004D;
	s15 =	ssub.s32 $0x2, s9;
	s17 =	smul.u32 $0xA0000, s9  }
0x8: {  	s16 =	sshrl.u32 s15, $0x1;
	s13 =	sor.u32 $0x1400, s12;
	s14 =	sadd.s32 $0x2800, s12  }
0x9: {  	s18 =	sadd.s32 $0x6400, s12;
	s19 =	sadd.s32 $0x7800, s12;
	s5 =	sadd.s32 s6, s5  }
0xa: {  	s21 =	ssub.s32 s15, s16;
	s6 =	sadd.s32 s13, s1;
	s7 =	sadd.s32 s14, s1  }
0xb: {  	s15 =	sadd.s32 $0x3C00, s12;
	s16 =	sadd.s32 $0x5000, s12;
	s10 =	sadd.s32 s18, s1  }
0xc: {  	s11 =	sadd.s32 s19, s1;
	s20 =	sadd.s32 s12, s17;
	s25 =	sadd.s32 s17, s13  }
0xd: {  	s26 =	sadd.s32 s17, s14;
	s18 =	sadd.s32 s17, s18;
	s19 =	sadd.s32 s17, s19  }
0xe: {  	s23 =	sshrl.u32 s5, $0x3;
	s5 =	sadd.s32 s12, s1;
	s8 =	sadd.s32 s15, s1  }
0xf: {  	s9 =	sadd.s32 s16, s1;
	s12 =	sadd.s32 $0x8C00, s12;
	s20 =	sshrl.u32 s20, $0x3  }
0x10: {  	s15 =	sadd.s32 s17, s15;
	s28 =	sadd.s32 s17, s16;
	s18 =	sshrl.u32 s18, $0x3  }
0x11: {  	s19 =	sshrl.u32 s19, $0x3;
	s21 =	smax.u32 s21, $0x1;
	s24 =	sadd.s32 s23, s0  }
0x12: {  	s0 =	sadd.s32 $0x1F800, s0;
	s29 =	sadd.s32 s17, s12;
	s12 =	sadd.s32 s12, s1  }
0x13: {  	s30 =	sshrl.u32 s28, $0x3;
	s22 =	sadd.s32 s23, s22;
	s28 =	simm.s32 $0x1  }
0x14: {  	s17 =	sadd.s32 s0, s20;
	s20 =	sshrl.u32 s25, $0x3;
	s25 =	sshrl.u32 s26, $0x3  }
0x15: {  	s26 =	sshrl.u32 s15, $0x3;
	s18 =	sadd.s32 s0, s18;
	s19 =	sadd.s32 s0, s19  }
0x16: {  	s31 =	sshrl.u32 s29, $0x3;
	s23 =	sadd.s32 $0x1A00, s24;
	s24 =	simm.s32 $0xA0  }
0x17: {  	s29 =	simm.s32 $0x0;
	[dreg:$0x4] =	wrdreg s17;
	s14 =	sadd.s32 s0, s20  }
0x18: {  	s15 =	sadd.s32 s0, s25;
	s16 =	sadd.s32 s0, s26;
	s17 =	sadd.s32 s0, s30  }
0x19: {  	v0 =	vimm.f32 $0.0e+00;
	s20 =	sadd.s32 s0, s31;
	s25 =	simm.s32 $0x2;
	s26 =	simm.s32 $0x50  }
.LBB2_1:
0x1a: {  	s0 =	sand.u32 $0x7F00, s3  }
0x1b: {  	s31 =	sand.u32 $0x30, s3;
	s0 =	sshrl.u32 s0, $0x2  }
0x1c: {  	s30 =	simm.s32 $0x40;
	s0 =	sor.u32 s31, s0;
	s31 =	simm.s32 $0x0  }
.LBB2_2:
0x1d: {  	p0 =	sne.s32 s30, $0x4FC0  }
0x1e: {  	[tilespmem:s0+$0xA0] =	vst v0;
	s31 =	sadd.s32 $0x10, s31;
	s0 =	smov.u32 s30;
	s30 =	sadd.s32 $0x40, s30  }
.Ltmp0:
0x1f: {  	(pc) =	sbr.rel @p0 .LBB2_2-.Ltmp0, $4  }
0x20: {  	_ = 	snop  }
0x21: {  	s0 =	sand.u32 $0x7F00, s0  }
0x22: {  	s2 =	sand.u32 $0x30, s31;
	s0 =	sshrl.u32 s0, $0x2  }
0x23: {  	s0 =	sor.u32 s2, s0  }
0x24: {  	[tilespmem:s0+$0xA0] =	vst v0  }
0x25: {  	[spmem:s5] =	stream.linear.scatter [tilespmem:s24], [sflag:$0x2], $0x1400, $0x38;
	[tilespmem:$0xB4A0] =	vst v63  }
0x26: {  	_ =	swait.ge [sflag:s25], $0x1400  }
0x27: {  	[sflag:s25] =	ssyncset.done $0x0  }
0x28: {  	[sflag:s25] =	ssyncadd.s32 $0xFFFFEC00  }
0x29: {  	[spmem:s6] =	stream.linear.scatter [tilespmem:s24], [sflag:$0x2], $0x1400, $0x38;
	[tilespmem:$0xB4A0] =	vst v63  }
0x2a: {  	_ =	swait.ge [sflag:s25], $0x1400  }
0x2b: {  	[sflag:s25] =	ssyncset.done $0x0  }
0x2c: {  	[sflag:s25] =	ssyncadd.s32 $0xFFFFEC00  }
0x2d: {  	[spmem:s7] =	stream.linear.scatter [tilespmem:s24], [sflag:$0x2], $0x1400, $0x38;
	[tilespmem:$0xB4A0] =	vst v63  }
0x2e: {  	_ =	swait.ge [sflag:s25], $0x1400  }
0x2f: {  	[sflag:s25] =	ssyncset.done $0x0  }
0x30: {  	[sflag:s25] =	ssyncadd.s32 $0xFFFFEC00  }
0x31: {  	[spmem:s8] =	stream.linear.scatter [tilespmem:s24], [sflag:$0x2], $0x1400, $0x38;
	[tilespmem:$0xB4A0] =	vst v63  }
0x32: {  	_ =	swait.ge [sflag:s25], $0x1400  }
0x33: {  	[sflag:s25] =	ssyncset.done $0x0  }
0x34: {  	[sflag:s25] =	ssyncadd.s32 $0xFFFFEC00  }
0x35: {  	[spmem:s9] =	stream.linear.scatter [tilespmem:s24], [sflag:$0x2], $0x1400, $0x38;
	[tilespmem:$0xB4A0] =	vst v63  }
0x36: {  	_ =	swait.ge [sflag:s25], $0x1400  }
0x37: {  	[sflag:s25] =	ssyncset.done $0x0  }
0x38: {  	[sflag:s25] =	ssyncadd.s32 $0xFFFFEC00  }
0x39: {  	[spmem:s10] =	stream.linear.scatter [tilespmem:s24], [sflag:$0x2], $0x1400, $0x38;
	[tilespmem:$0xB4A0] =	vst v63  }
0x3a: {  	_ =	swait.ge [sflag:s25], $0x1400  }
0x3b: {  	[sflag:s25] =	ssyncset.done $0x0  }
0x3c: {  	[sflag:s25] =	ssyncadd.s32 $0xFFFFEC00  }
0x3d: {  	[spmem:s11] =	stream.linear.scatter [tilespmem:s24], [sflag:$0x2], $0x1400, $0x38;
	[tilespmem:$0xB4A0] =	vst v63  }
0x3e: {  	_ =	swait.ge [sflag:s25], $0x1400  }
0x3f: {  	[sflag:s25] =	ssyncset.done $0x0  }
0x40: {  	[sflag:s25] =	ssyncadd.s32 $0xFFFFEC00  }
0x41: {  	[spmem:s12] =	stream.linear.scatter [tilespmem:s24], [sflag:$0x2], $0x1400, $0x38;
	[tilespmem:$0xB4A0] =	vst v63  }
0x42: {  	_ =	swait.ge [sflag:s25], $0x1400  }
0x43: {  	[sflag:s25] =	ssyncset.done $0x0  }
0x44: {  	[sflag:s25] =	ssyncadd.s32 $0xFFFFEC00  }
0x45: {  	s2 =	sadd.s32 $0x0, s23;
	[bflag:$0x0] =	sbarrier.arrive $0xFFFF  }
0x46: {  	[tilespmem:s3], [sflag:$0x2] =	stream.linear.gather [hbm4b:s2+s3], $0x50, $0x38;
	[tilespmem:$0xB4A0] =	vst v63  }
0x47: {  	_ =	swait.ge [sflag:s25], $0x50  }
0x48: {  	[sflag:s25] =	ssyncset.done $0x0  }
0x49: {  	s13 =	sadd.s32 $0x0, s22;
	[sflag:s25] =	ssyncadd.s32 $0xFFFFFFB0  }
0x4a: {  	[tilespmem:s26], [sflag:$0x2] =	stream.linear.gather [hbm4b:s13+s3], $0x50, $0x38;
	[tilespmem:$0xB4A0] =	vst v63  }
0x4b: {  	_ =	swait.ge [sflag:s25], $0x50  }
0x4c: {  	[sflag:s25] =	ssyncset.done $0x0  }
0x4d: {  	[sflag:s25] =	ssyncadd.s32 $0xFFFFFFB0  }
0x4e: {  	[tilespmem:s24], [sflag:$0x1] =	stream.indirect.gather [hbm4b:s4+s26], $0x40, s3, s26, $0xb8;
	[tilespmem:$0xB4A0] =	vst v63  }
0x4f: {  	_ =	swait.ge [sflag:s28], $0x1400  }
0x50: {  	[sflag:s28] =	ssyncset.done $0x0  }
0x51: {  	[sflag:s28] =	ssyncadd.s32 $0xFFFFEC00  }
0x52: {  	[spmem:s1] =	stream.indirect.scatter.add.f32 [tilespmem:s24], [sflag:$0x2], $0x40, s26, s26, $0xb8;
	[tilespmem:$0xB4A0] =	vst v63  }
0x53: {  	_ =	swait.ge [sflag:s25], $0x1400  }
0x54: {  	s30 =	simm.s32 $0xA;
	s31 =	simm.s32 $0x14;
	[sflag:s25] =	ssyncset.done $0x0  }
.LBB2_4:
0x55: {  	s0 =	sadd.s32 s30, s23  }
0x56: {  	[sflag:s25] =	ssyncadd.s32 $0xFFFFEC00;
	s2 =	smov.u32 s31;
	s13 =	sadd.s32 $0xA, s31  }
0x57: {  	[tilespmem:s3], [sflag:$0x2] =	stream.linear.gather [hbm4b:s0+s3], $0x50, $0x38;
	[tilespmem:$0xB4A0] =	vst v63  }
0x58: {  	p0 =	sne.s32 s31, $0x4D8;
	_ =	swait.ge [sflag:s25], $0x50  }
0x59: {  	[sflag:s25] =	ssyncset.done $0x0  }
0x5a: {  	s0 =	sadd.s32 s30, s22;
	s30 =	smov.u32 s2;
	[sflag:s25] =	ssyncadd.s32 $0xFFFFFFB0  }
0x5b: {  	[tilespmem:s26], [sflag:$0x2] =	stream.linear.gather [hbm4b:s0+s3], $0x50, $0x38;
	[tilespmem:$0xB4A0] =	vst v63  }
0x5c: {  	_ =	swait.ge [sflag:s25], $0x50  }
0x5d: {  	[sflag:s25] =	ssyncset.done $0x0  }
0x5e: {  	[sflag:s25] =	ssyncadd.s32 $0xFFFFFFB0  }
0x5f: {  	[tilespmem:s24], [sflag:$0x1] =	stream.indirect.gather [hbm4b:s4+s26], $0x40, s3, s26, $0xb8;
	[tilespmem:$0xB4A0] =	vst v63  }
0x60: {  	_ =	swait.ge [sflag:s28], $0x1400  }
.Ltmp1:
0x61: {  	[sflag:s28] =	ssyncset.done $0x0;
	(pc) =	sbr.rel @p0 .LBB2_4-.Ltmp1, $4  }
0x62: {  	[sflag:s28] =	ssyncadd.s32 $0xFFFFEC00  }
0x63: {  	[spmem:s1] =	stream.indirect.scatter.add.f32 [tilespmem:s24], [sflag:$0x2], $0x40, s26, s26, $0xb8;
	[tilespmem:$0xB4A0] =	vst v63  }
0x64: {  	_ =	swait.ge [sflag:s25], $0x1400  }
0x65: {  	s31 =	smov.u32 s13;
	[sflag:s25] =	ssyncset.done $0x0  }
0x66: {  	s0 =	sadd.s32 s30, s23;
	[sflag:s25] =	ssyncadd.s32 $0xFFFFEC00  }
0x67: {  	[tilespmem:s3], [sflag:$0x2] =	stream.linear.gather [hbm4b:s0+s3], $0x50, $0x38;
	[tilespmem:$0xB4A0] =	vst v63  }
0x68: {  	_ =	swait.ge [sflag:s25], $0x50  }
0x69: {  	[sflag:s25] =	ssyncset.done $0x0  }
0x6a: {  	s13 =	sadd.s32 s30, s22;
	[sflag:s25] =	ssyncadd.s32 $0xFFFFFFB0  }
0x6b: {  	[tilespmem:s26], [sflag:$0x2] =	stream.linear.gather [hbm4b:s13+s3], $0x50, $0x38;
	[tilespmem:$0xB4A0] =	vst v63  }
0x6c: {  	_ =	swait.ge [sflag:s25], $0x50  }
0x6d: {  	[sflag:s25] =	ssyncset.done $0x0  }
0x6e: {  	[sflag:s25] =	ssyncadd.s32 $0xFFFFFFB0  }
0x6f: {  	[tilespmem:s24], [sflag:$0x1] =	stream.indirect.gather [hbm4b:s4+s26], $0x40, s3, s26, $0xb8;
	[tilespmem:$0xB4A0] =	vst v63  }
0x70: {  	_ =	swait.ge [sflag:s28], $0x1400  }
0x71: {  	[sflag:s28] =	ssyncset.done $0x0  }
0x72: {  	[sflag:s28] =	ssyncadd.s32 $0xFFFFEC00  }
0x73: {  	[spmem:s1] =	stream.indirect.scatter.add.f32 [tilespmem:s24], [sflag:$0x2], $0x40, s26, s26, $0xb8;
	[tilespmem:$0xB4A0] =	vst v63  }
0x74: {  	_ =	swait.ge [sflag:s25], $0x1400  }
0x75: {  	[sflag:s25] =	ssyncset.done $0x0  }
0x76: {  	s30 =	stileid.u32;
	[sflag:s25] =	ssyncadd.s32 $0xFFFFEC00  }
0x77: {  	s0 =	sshll.u32 s30, $0x6;
	[bflag:$0x0] =	sbarrier.arrive $0xFFFF  }
0x78: {  	s2 =	sshrl.u32 s5, $0x3;
	s0 =	sor.u32 $0x1C02, s0;
	s13 =	rddreg [dreg:$0x4]  }
0x79: {  	[hbm:s13], [sflag:s0] =	dma.local [spmem:s2], $0x280  }
0x7a: {  	_ =	swait.ge [sflag:s25], $0x280  }
0x7b: {  	[sflag:s25] =	ssyncset.done $0x0  }
0x7c: {  	s31 =	sshrl.u32 s6, $0x3;
	[sflag:s25] =	ssyncadd.s32 $0xFFFFFD80  }
0x7d: {  	[hbm:s14], [sflag:s0] =	dma.local [spmem:s31], $0x280  }
0x7e: {  	_ =	swait.ge [sflag:s25], $0x280  }
0x7f: {  	[sflag:s25] =	ssyncset.done $0x0  }
0x80: {  	s13 =	sshrl.u32 s7, $0x3;
	[sflag:s25] =	ssyncadd.s32 $0xFFFFFD80  }
0x81: {  	[hbm:s15], [sflag:s0] =	dma.local [spmem:s13], $0x280  }
0x82: {  	_ =	swait.ge [sflag:s25], $0x280  }
0x83: {  	[sflag:s25] =	ssyncset.done $0x0  }
0x84: {  	s30 =	sshrl.u32 s8, $0x3;
	[sflag:s25] =	ssyncadd.s32 $0xFFFFFD80  }
0x85: {  	[hbm:s16], [sflag:s0] =	dma.local [spmem:s30], $0x280  }
0x86: {  	_ =	swait.ge [sflag:s25], $0x280  }
0x87: {  	[sflag:s25] =	ssyncset.done $0x0  }
0x88: {  	s31 =	sshrl.u32 s9, $0x3;
	[sflag:s25] =	ssyncadd.s32 $0xFFFFFD80  }
0x89: {  	[hbm:s17], [sflag:s0] =	dma.local [spmem:s31], $0x280  }
0x8a: {  	_ =	swait.ge [sflag:s25], $0x280  }
0x8b: {  	[sflag:s25] =	ssyncset.done $0x0  }
0x8c: {  	s13 =	sshrl.u32 s10, $0x3;
	[sflag:s25] =	ssyncadd.s32 $0xFFFFFD80  }
0x8d: {  	[hbm:s18], [sflag:s0] =	dma.local [spmem:s13], $0x280  }
0x8e: {  	_ =	swait.ge [sflag:s25], $0x280  }
0x8f: {  	[sflag:s25] =	ssyncset.done $0x0  }
0x90: {  	s30 =	sshrl.u32 s11, $0x3;
	[sflag:s25] =	ssyncadd.s32 $0xFFFFFD80  }
0x91: {  	[hbm:s19], [sflag:s0] =	dma.local [spmem:s30], $0x280  }
0x92: {  	s29 =	sadd.s32 $0x1, s29;
	_ =	swait.ge [sflag:s25], $0x280  }
0x93: {  	p0 =	sne.s32 s29, s21;
	[sflag:s25] =	ssyncset.done $0x0  }
.Ltmp2:
0x94: {  	s31 =	sshrl.u32 s12, $0x3;
	[sflag:s25] =	ssyncadd.s32 $0xFFFFFD80;
	(pc) =	sbr.rel @p0 .LBB2_1-.Ltmp2, $4  }
0x95: {  	[hbm:s20], [sflag:s0] =	dma.local [spmem:s31], $0x280  }
0x96: {  	_ =	swait.ge [sflag:s25], $0x280  }
0x97: {  	[sflag:s25] =	ssyncset.done $0x0  }
0x98: {  	[sflag:s25] =	ssyncadd.s32 $0xFFFFFD80  }
0x99: {  	_ =	sfence.sel $0x180000  }
0x9a: {  	[bflag:$0x0] =	sbarrier.arrive $0xFFFF  }
0x9b: {  	_ =	strace $0x9000004D  }
0x9c: {  	s0 =	stileid.u32;
	[bflag:$0x2] =	sbarrier.arrive $0xFFFF  }
0x9d: {  	p0 =	sne.s32 s0, $0x0;
	s0 =	rddreg [dreg:$0x3]  }
0x9e: {  	s0 =	sadd.s32 @!p0 $0x100000, s0  }
0x9f: {  	[sflag:s0] =	ssyncadd.tile.s32 @!p0 $0x1;
	_ =	shalt  }
.Lfunc_end2:
_tile_overlayer_lowered:
.L_overlay_start_2:
0xa0: {  	(tag) =	ssettag $0x2  }
0xa1: {  	s0 =	rddreg [dreg:$0x0];
	s2 =	stileid.u32  }
0xa2: {  	s1 =	rddreg [dreg:$0x1];
	p0 =	sne.s32 s2, $0x0  }
0xa3: {  	s3 =	rddreg [dreg:$0x2];
	[bflag:$0x3] =	sbarrier.arrive $0xFFFF;
	s2 =	simm.s32 @!p0 $0x1C02  }
0xa4: {  	[timem:s3], [sflag:s2] =	dma.local @!p0 [hbm:s0], s1  }
0xa5: {  	s0 =	simm.s32 @!p0 $0x2  }
0xa6: {  	_ =	swait.ge @!p0 [sflag:s0], s1  }
0xa7: {  	s1 =	ssub.s32 @!p0 $0x0, s1;
	[sflag:s0] =	ssyncset.done @!p0 $0x0  }
0xa8: {  	[sflag:s0] =	ssyncadd.s32 @!p0 s1  }
0xa9: {  	[bflag:$0x3] =	sbarrier.arrive $0xFFFF  }
0xaa: {  	_ =	shalt  }

// kernel: kernel.8.cloned.1.call-start
scs
__scs_entry_jumppad:
0x0: {  	(pc) =	sbr.rel $0x88, $3  }
0x1: {  	(tag) =	ssettag $0x0;
	lr =	simm.s32 $0x1  }
0x2: {  	[smem:$0x3F9B] =	sst lr;
	_ =	strace $0xD0000000  }
0x3: {  	_ = 	snop  }
0x4: {  	_ = 	snop  }
0x5: {  	_ = 	snop  }
0x6: {  	_ = 	snop  }
0x7: {  	_ = 	snop  }
__scs_overlays_trampoline_lowered:
0x8: {  	[smem:$0x3FAA] =	sst s0  }
0x9: {  	[smem:$0x3FAB] =	sst s1  }
0xa: {  	[smem:$0x3FAC] =	sst s2  }
0xb: {  	[smem:$0x3FAD] =	sst s3  }
0xc: {  	[smem:$0x3FAE] =	sst s4  }
0xd: {  	[smem:$0x3FAF] =	sst s5  }
0xe: {  	[smem:$0x3FB0] =	sst s6  }
0xf: {  	[smem:$0x3FB1] =	sst s7  }
0x10: {  	[smem:$0x3FB2] =	sst s8  }
0x11: {  	[smem:$0x3FB3] =	sst s9;
	s0 =	simm.s32 @!p0 $0x0  }
0x12: {  	s1 =	sld [smem:$0x3F99];
	s0 =	simm.s32 @p0 $0x1  }
0x13: {  	[smem:$0x3FB4] =	sst s0;
	s0 =	simm.s32 @!p1 $0x0  }
0x14: {  	s2 =	sld [smem:$0x3F98];
	s0 =	simm.s32 @p1 $0x1  }
0x15: {  	[smem:$0x3FB5] =	sst s0;
	s0 =	simm.s32 @!p2 $0x0  }
0x16: {  	s3 =	sld [smem:$0x3FDB];
	s0 =	simm.s32 @p2 $0x1  }
0x17: {  	s4 =	simm.s32 $0x1BF5;
	[smem:$0x3FB7] =	sst s0  }
0x18: {  	s0 =	sld [smem:$0x3F9A];
	_ =	swait.ge [sflag:s4], $0x0  }
0x19: {  	s7 =	sld [smem:$0x3F9B]  }
0x1a: {  	s8 =	sadd.s32 $0xFFFFE003, lr  }
0x1b: {  	s9 =	sadd.s32 $0xFFFFFEF7, lr;
	s5 =	simm.s32 $0xFFFFFFFF;
	p2 =	slt.u32 s8, $0xFFFFF086  }
0x1c: {  	p1 =	slt.u32 s9, $0xF7A;
	s5 =	simm.s32 @!p2 $0x0  }
0x1d: {  	s5 =	simm.s32 @p1 $0x1;
	p0 =	seq.s32 s7, s2  }
0x1e: {  	s7 =	smul.u32 @!p0 $0xF7A, s2;
	p2 =	seq.s32 @!p0 s5, $0x0  }
0x1f: {  	s9 =	smul.u32 $0xF7A, s1;
	s8 =	simm.s32 @!p0 $0x1BF5;
	p2 =	por !p2, p0  }
0x20: {  	[sflag:s8] =	ssyncset.s32 @!p0 $0xFFFFF086;
	s6 =	sadd.s32 @!p0 s3, s7;
	s7 =	simm.s32 @!p0 $0x108  }
0x21: {  	s3 =	sadd.s32 s3, s9;
	s6 =	sadd.s32 @!p0 $0x88, s6;
	s7 =	simm.s32 @p2 $0x1082  }
0x22: {  	[simem:s7], [sflag:s8] =	dma.local @!p0 [hbm:s6], $0xF7A  }
0x23: {  	s9 =	sor.u32 $0xD0000000, s2;
	s6 =	simm.s32 $0x108;
	_ =	swait.ge @!p0 [sflag:s8], $0x0  }
0x24: {  	s3 =	sadd.s32 $0x88, s3;
	s6 =	simm.s32 @!p1 $0x1082;
	[sflag:s4] =	ssyncset.s32 $0xFFFFF086  }
0x25: {  	[simem:s6], [sflag:s4] =	dma.local [hbm:s3], $0xF7A  }
0x26: {  	[smem:$0x3F9B] =	sst s1;
	(tag) =	ssettag s2;
	_ =	strace s9  }
0x27: {  	s1 =	sld [smem:$0x3FAB]  }
0x28: {  	s2 =	sld [smem:$0x3FAC]  }
0x29: {  	s4 =	sld [smem:$0x3FAE]  }
0x2a: {  	p0 =	seq.s32 s5, $0x0;
	s5 =	sld [smem:$0x3FAF]  }
0x2b: {  	s6 =	sld [smem:$0x3FB0]  }
0x2c: {  	s7 =	sld [smem:$0x3FB1]  }
0x2d: {  	s3 =	simm.s32 $0x108;
	s8 =	sld [smem:$0x3FB2]  }
0x2e: {  	s3 =	simm.s32 @!p0 $0x1082;
	s9 =	sld [smem:$0x3FB3]  }
0x2f: {  	lr =	sadd.s32 s0, s3;
	s0 =	sld [smem:$0x3FAA]  }
0x30: {  	s3 =	sld [smem:$0x3FAD]  }
0x31: {  	[smem:$0x3FB6] =	sst s10  }
0x32: {  	s10 =	sld [smem:$0x3FB4];
	_ =	sdelay $0x3  }
0x33: {  	p0 =	seq.s32 s10, $0x1;
	s10 =	sld [smem:$0x3FB6];
	_ =	sdelay $0x3  }
0x34: {  	[smem:$0x3FB6] =	sst s10  }
0x35: {  	s10 =	sld [smem:$0x3FB5];
	_ =	sdelay $0x3  }
0x36: {  	p1 =	seq.s32 s10, $0x1;
	s10 =	sld [smem:$0x3FB6];
	_ =	sdelay $0x3  }
0x37: {  	[smem:$0x3FB6] =	sst s10  }
0x38: {  	s10 =	sld [smem:$0x3FB7]  }
0x39: {  	_ = 	snop;
	(pc) =	sbr.ind lr, $3  }
0x3a: {  	_ = 	snop  }
0x3b: {  	_ = 	snop  }
0x3c: {  	p2 =	seq.s32 s10, $0x1;
	s10 =	sld [smem:$0x3FB6]  }
0x3d: {  	_ =	shalt  }
0x3e: {  	_ =	shalt  }
0x3f: {  	_ =	shalt  }
0x40: {  	_ =	shalt  }
0x41: {  	_ =	shalt  }
0x42: {  	_ =	shalt  }
0x43: {  	_ =	shalt  }
0x44: {  	_ =	shalt  }
0x45: {  	_ =	shalt  }
0x46: {  	_ =	shalt  }
0x47: {  	_ =	shalt  }
0x48: {  	_ =	shalt  }
0x49: {  	_ =	shalt  }
0x4a: {  	_ =	shalt  }
0x4b: {  	_ =	shalt  }
0x4c: {  	_ =	shalt  }
0x4d: {  	_ =	shalt  }
0x4e: {  	_ =	shalt  }
0x4f: {  	_ =	shalt  }
0x50: {  	_ =	shalt  }
0x51: {  	_ =	shalt  }
0x52: {  	_ =	shalt  }
0x53: {  	_ =	shalt  }
0x54: {  	_ =	shalt  }
0x55: {  	_ =	shalt  }
0x56: {  	_ =	shalt  }
0x57: {  	_ =	shalt  }
0x58: {  	_ =	shalt  }
0x59: {  	_ =	shalt  }
0x5a: {  	_ =	shalt  }
0x5b: {  	_ =	shalt  }
0x5c: {  	_ =	shalt  }
0x5d: {  	_ =	shalt  }
0x5e: {  	_ =	shalt  }
0x5f: {  	_ =	shalt  }
0x60: {  	_ =	shalt  }
0x61: {  	_ =	shalt  }
0x62: {  	_ =	shalt  }
0x63: {  	_ =	shalt  }
0x64: {  	_ =	shalt  }
0x65: {  	_ =	shalt  }
0x66: {  	_ =	shalt  }
0x67: {  	_ =	shalt  }
0x68: {  	_ =	shalt  }
0x69: {  	_ =	shalt  }
0x6a: {  	_ =	shalt  }
0x6b: {  	_ =	shalt  }
0x6c: {  	_ =	shalt  }
0x6d: {  	_ =	shalt  }
0x6e: {  	_ =	shalt  }
0x6f: {  	_ =	shalt  }
0x70: {  	_ =	shalt  }
0x71: {  	_ =	shalt  }
0x72: {  	_ =	shalt  }
0x73: {  	_ =	shalt  }
0x74: {  	_ =	shalt  }
0x75: {  	_ =	shalt  }
0x76: {  	_ =	shalt  }
0x77: {  	_ =	shalt  }
0x78: {  	_ =	shalt  }
0x79: {  	_ =	shalt  }
0x7a: {  	_ =	shalt  }
0x7b: {  	_ =	shalt  }
0x7c: {  	_ =	shalt  }
0x7d: {  	_ =	shalt  }
0x7e: {  	_ =	shalt  }
0x7f: {  	_ =	shalt  }
0x80: {  	_ =	shalt  }
0x81: {  	_ =	shalt  }
0x82: {  	_ =	shalt  }
0x83: {  	_ =	shalt  }
0x84: {  	_ =	shalt  }
0x85: {  	_ =	shalt  }
0x86: {  	_ =	shalt  }
0x87: {  	_ =	shalt  }
.Lfunc_end0:
.L_simem_size_0:
called_computation_lowered:
.L_overlay_start_0:
0x88: {  	s2 =	sld [smem:$0x3FD9]  }
0x89: {  	s3 =	sld [smem:$0x3FFE];
	_ =	sdelay $0x1  }
0x8a: {  	s1 =	srdreg.scid  }
0x8b: {  	s0 =	sand.u32 $0x1, s1  }
0x8c: {  	s17 =	sshll.u32 s0, $0xA;
	s2 =	sadd.s32 s3, s2  }
0x8d: {  	s2 =	sadd.s32 s2, s17  }
0x8e: {  	[smem:$0x3FC2] =	sst s2  }
0x8f: {  	_ = 	snop  }
0x90: {  	s2 =	sld [smem:$0x3FD0];
	(tm) =	ssettm $0x1  }
0x91: {  	s18 =	sld [smem:$0x3FFB];
	_ =	sdelay $0x3  }
0x92: {  	_ =	strace s18  }
0x93: {  	s3 =	sld [smem:$0x3FFC];
	_ =	sdelay $0x3  }
0x94: {  	_ =	strace s3  }
0x95: {  	s3 =	sld [smem:$0x3FFD];
	_ =	sdelay $0x3  }
0x96: {  	_ =	strace s3  }
0x97: {  	_ =	strace $0x8FFFFFFF  }
0x98: {  	s19 =	sld [smem:$0x3FDB];
	_ =	sdelay $0x1  }
0x99: {  	s4 =	simm.s32 $_scs_section_size  }
0x9a: {  	s5 =	simm.s32 $_size__tile_overlayer_lowered;
	s6 =	simm.s32 $_tile_overlayer_lowered  }
0x9b: {  	s22 =	simm.s32 $0x1BFF;
	s21 =	sshll.u32 s6, $0x1;
	s3 =	sadd.s32 s4, s19  }
0x9c: {  	s7 =	simm.s32 $0x0;
	s20 =	sshll.u32 s5, $0x1;
	s5 =	sadd.s32 s21, s3  }
0x9d: {  	[timem:s7], [sflag:s22] =	dma.local [hbm:s5], s20  }
0x9e: {  	_ =	swait.ge [sflag:s22], s20  }
0x9f: {  	s4 =	ssub.s32 $0x0, s20;
	[sflag:s22] =	ssyncset.done $0x0  }
0xa0: {  	[sflag:s22] =	ssyncadd.s32 s4;
	_ =	sdelay $0x1  }
0xa1: {  	s23 =	simm.s32 $0x1B8B  }
0xa2: {  	_ =	swait.ge [sflag:s23], $0x1  }
0xa3: {  	[sflag:s23] =	ssyncset.done $0x0  }
0xa4: {  	s25 =	simm.s32 $0x1B8E;
	s24 =	sld [smem:$0x3FFE];
	[sflag:s23] =	ssyncadd.s32 $0xFFFFFFFF  }
0xa5: {  	s26 =	simm.s32 $execute0_lowered;
	[smem:$0x3FD2] =	sst s25  }
0xa6: {  	s5 =	sshll.u32 s26, $0x1;
	_ =	strace $0x80000046;
	[dreg:$0x1] =	wrdreg $0xFFFFFFFF  }
0xa7: {  	s28 =	simm.s32 $_size_execute0_lowered;
	s3 =	sadd.s32 s3, s5;
	[dreg:$0x0] =	wrdreg $0x0  }
0xa8: {  	s5 =	sshll.u32 s28, $0x1;
	[dreg:$0x2] =	wrdreg s3  }
0xa9: {  	[dreg:$0x3] =	wrdreg s5  }
0xaa: {  	[dreg:$0x4] =	wrdreg $0xC0  }
0xab: {  	_ =	task [dreg:s7], $0x5FFFF  }
0xac: {  	[dreg:$0x1] =	wrdreg $0xFFFFFFFF  }
0xad: {  	[dreg:$0x0] =	wrdreg $0x60  }
0xae: {  	[dreg:$0x2] =	wrdreg s24  }
0xaf: {  	[dreg:$0x3] =	wrdreg s2  }
0xb0: {  	[dreg:$0x4] =	wrdreg $0x3800  }
0xb1: {  	[dreg:$0x5] =	wrdreg $0x6000  }
0xb2: {  	[dreg:$0x6] =	wrdreg $0x9  }
0xb3: {  	_ =	task.clear_ibuf [dreg:s7], $0x7FFFF;
	_ =	strace $0x90000046  }
0xb4: {  	s29 =	simm.s32 $0x9;
	_ =	strace $0x80000048  }
0xb5: {  	_ =	swait.ge [sflag:s29], $0x1  }
0xb6: {  	[sflag:s29] =	ssyncadd.s32 $0xFFFFFFFF  }
0xb7: {  	_ =	strace $0x90000048  }
0xb8: {  	_ =	sfence  }
0xb9: {  	s30 =	sld [smem:$0x0];
	_ =	sdelay $0x2  }
0xba: {  	s31 =	sshll.u32 s1, $0xD;
	s1 =	sshrl.u32 s1, $0x2  }
0xbb: {  	s3 =	sand.u32 $0x4000, s31;
	s1 =	sadd.s32 s1, s30  }
0xbc: {  	s0 =	sor.u32 s3, s0;
	s1 =	sshll.u32 s1, $0x11  }
0xbd: {  	s0 =	sor.u32 s1, s0  }
0xbe: {  	s0 =	sadd.s32 $0x8F2B, s0  }
0xbf: {  	[sflag:s0] =	ssyncadd.remote.s32 $0x1  }
0xc0: {  	_ =	sfence.sel $0xFFFF  }
0xc1: {  	[dreg:$0x0] =	wrdreg $0xFFFFFFFF;
	(pc) =	sbr.abs _section_cstart, $3  }
0xc2: {  	[dreg:$0x1] =	wrdreg $0xFFFFFFFF  }
0xc3: {  	_ =	task.clear_ibuf [dreg:s7], $0x2FFFF;
	_ =	strace $0x9FFFFFFF  }
0xc4: {  	(tm) =	ssettm $0x7FFFFFFF  }
0xc5: {  	_ =	shalt  }
tec
execute0_lowered:
.L_overlay_start_1:
0x0: {  	(tag) =	ssettag $0x1  }
0x1: {  	s5 =	rddreg [dreg:$0x0]  }
0x2: {  	s10 =	rddreg [dreg:$0x1]  }
0x3: {  	s2 =	rddreg [dreg:$0x2]  }
0x4: {  	s0 =	srdreg.scid;
	s3 =	rddreg [dreg:$0x3]  }
0x5: {  	s1 =	rddreg [dreg:$0x4];
	s6 =	sand.u32 $0x1, s0  }
0x6: {  	s4 =	simm.s32 $0x0;
	s0 =	stileid.u32;
	s7 =	smul.u32 $0x27100, s6  }
0x7: {  	s15 =	simm.s32 $0x80;
	s18 =	simm.s32 $0x20;
	s8 =	smul.u32 $0x2710, s0  }
0x8: {  	s19 =	simm.s32 $0x10;
	[smem:$0x7FF] =	sst s4;
	s9 =	smul.u32 $0x5000, s6  }
0x9: {  	s21 =	simm.s32 $0x0;
	s11 =	smul.u32 $0x500, s0;
	_ =	strace $0x80000047  }
0xa: {  	s6 =	ssub.s32 $0x2, s6;
	s30 =	smul.u32 $0x280, s0;
	s16 =	sshll.u32 s0, $0x6  }
0xb: {  	s29 =	sshrl.u32 s6, $0x1;
	s16 =	sor.u32 $0x1C01, s16;
	s7 =	sadd.s32 s8, s7  }
0xc: {  	s28 =	sadd.s32 s11, s9;
	s14 =	ssub.s32 s6, s29;
	s6 =	sadd.s32 s30, s3  }
0xd: {  	s12 =	sshrl.u32 s7, $0x3;
	s7 =	sshrl.u32 s28, $0x3;
	s9 =	smax.u32 s14, $0x1  }
0xe: {  	s14 =	simm.s32 $0x50;
	s20 =	sshrl.u32 s6, $0x3;
	s31 =	sadd.s32 s12, s5  }
0xf: {  	s13 =	sadd.s32 s7, s5;
	s5 =	sadd.s32 s30, s2;
	s10 =	sadd.s32 s12, s10  }
0x10: {  	s12 =	simm.s32 $0x100;
	s7 =	sadd.s32 $0xB800, s13;
	s8 =	sadd.s32 $0xB810, s13  }
0x11: {  	v0 =	vimm.f32 $1.000000000e+00;
	v1 =	vimm.f32 $0.0e+00;
	s11 =	sadd.s32 $0x1A00, s31;
	s13 =	simm.s32 $0x1;
	s17 =	sshrl.u32 s5, $0x3  }
.LBB2_1:
0x12: {  	[tilespmem:$0x80] =	vst v0  }
0x13: {  	[tilespmem:$0x90] =	vst v0  }
0x14: {  	[tilespmem:$0xA0] =	vst v0  }
0x15: {  	[tilespmem:$0xB0] =	vst v0  }
0x16: {  	[tilespmem:$0xC0] =	vst v0  }
0x17: {  	[tilespmem:$0x100] =	vst v1  }
0x18: {  	[tilespmem:$0x110] =	vst v1  }
0x19: {  	[tilespmem:$0x120] =	vst v1  }
0x1a: {  	[tilespmem:$0x130] =	vst v1  }
0x1b: {  	[tilespmem:$0x140] =	vst v1  }
0x1c: {  	[tilespmem:$0x150] =	vst v1  }
0x1d: {  	[tilespmem:$0x160] =	vst v1  }
0x1e: {  	[tilespmem:$0x170] =	vst v1  }
0x1f: {  	[tilespmem:$0x180] =	vst v1  }
0x20: {  	[tilespmem:$0x190] =	vst v1  }
0x21: {  	[tilespmem:$0x1A0] =	vst v1  }
0x22: {  	[tilespmem:$0x1B0] =	vst v1  }
0x23: {  	[tilespmem:$0x1C0] =	vst v1  }
0x24: {  	[tilespmem:$0x1D0] =	vst v1  }
0x25: {  	[tilespmem:$0x1E0] =	vst v1  }
0x26: {  	[tilespmem:$0x1F0] =	vst v1  }
0x27: {  	[tilespmem:$0x200] =	vst v1  }
0x28: {  	[tilespmem:$0x210] =	vst v1  }
0x29: {  	[tilespmem:$0x220] =	vst v1  }
0x2a: {  	[tilespmem:$0x230] =	vst v1  }
0x2b: {  	[tilespmem:$0x240] =	vst v1  }
0x2c: {  	[tilespmem:$0x250] =	vst v1  }
0x2d: {  	[tilespmem:$0x260] =	vst v1  }
0x2e: {  	[tilespmem:$0x270] =	vst v1  }
0x2f: {  	[tilespmem:$0x280] =	vst v1  }
0x30: {  	[tilespmem:$0x290] =	vst v1  }
0x31: {  	[tilespmem:$0x2A0] =	vst v1  }
0x32: {  	[tilespmem:$0x2B0] =	vst v1  }
0x33: {  	[tilespmem:$0x2C0] =	vst v1  }
0x34: {  	[tilespmem:$0x2D0] =	vst v1  }
0x35: {  	[tilespmem:$0x2E0] =	vst v1  }
0x36: {  	[tilespmem:$0x2F0] =	vst v1  }
0x37: {  	[tilespmem:$0x300] =	vst v1  }
0x38: {  	[tilespmem:$0x310] =	vst v1  }
0x39: {  	[tilespmem:$0x320] =	vst v1  }
0x3a: {  	[tilespmem:$0x330] =	vst v1  }
0x3b: {  	[tilespmem:$0x340] =	vst v1  }
0x3c: {  	[tilespmem:$0x350] =	vst v1  }
0x3d: {  	[tilespmem:$0x360] =	vst v1  }
0x3e: {  	[tilespmem:$0x370] =	vst v1  }
0x3f: {  	[spmem:s5] =	stream.linear.scatter [tilespmem:s12], [sflag:$0x1], $0x280, $0x38;
	[tilespmem:$0x880] =	vst v63  }
0x40: {  	_ =	swait.ge [sflag:s13], $0x280  }
0x41: {  	[sflag:s13] =	ssyncset.done $0x0  }
0x42: {  	[sflag:s13] =	ssyncadd.s32 $0xFFFFFD80  }
0x43: {  	[spmem:s6] =	stream.linear.scatter [tilespmem:s12], [sflag:$0x1], $0x280, $0x38;
	[tilespmem:$0x880] =	vst v63  }
0x44: {  	_ =	swait.ge [sflag:s13], $0x280  }
0x45: {  	[sflag:s13] =	ssyncset.done $0x0  }
0x46: {  	[sflag:s13] =	ssyncadd.s32 $0xFFFFFD80  }
0x47: {  	s22 =	sadd.s32 $0x0, s11;
	[bflag:$0x0] =	sbarrier.arrive $0xFFFF  }
0x48: {  	[tilespmem:s4], [sflag:$0x1] =	stream.linear.gather [hbm4b:s22+s4], $0x50, $0x38;
	[tilespmem:$0x880] =	vst v63  }
0x49: {  	_ =	swait.ge [sflag:s13], $0x50  }
0x4a: {  	[sflag:s13] =	ssyncset.done $0x0  }
0x4b: {  	[sflag:s13] =	ssyncadd.s32 $0xFFFFFFB0  }
0x4c: {  	[spmem:s2] =	stream.indirect.scatter.add.f32 [tilespmem:s15], [sflag:$0x1], $0x1, s4, s14, $0xb8;
	[tilespmem:$0x880] =	vst v63  }
0x4d: {  	_ =	swait.ge [sflag:s13], $0x50  }
0x4e: {  	[sflag:s13] =	ssyncset.done $0x0  }
0x4f: {  	s31 =	sadd.s32 $0x0, s10;
	[sflag:s13] =	ssyncadd.s32 $0xFFFFFFB0  }
0x50: {  	[tilespmem:s4], [sflag:$0x1] =	stream.linear.gather [hbm4b:s31+s4], $0x50, $0x38;
	[tilespmem:$0x880] =	vst v63  }
0x51: {  	_ =	swait.ge [sflag:s13], $0x50  }
0x52: {  	[sflag:s13] =	ssyncset.done $0x0  }
0x53: {  	[sflag:s13] =	ssyncadd.s32 $0xFFFFFFB0  }
0x54: {  	[spmem:s3] =	stream.indirect.scatter.add.f32 [tilespmem:s15], [sflag:$0x1], $0x1, s4, s14, $0xb8;
	[tilespmem:$0x880] =	vst v63  }
0x55: {  	_ =	swait.ge [sflag:s13], $0x50  }
0x56: {  	s23 =	simm.s32 $0x14;
	s22 =	simm.s32 $0xA;
	[sflag:s13] =	ssyncset.done $0x0  }
.LBB2_2:
0x57: {  	s24 =	sadd.s32 s22, s11  }
0x58: {  	[sflag:s13] =	ssyncadd.s32 $0xFFFFFFB0;
	s25 =	smov.u32 s23;
	s26 =	sadd.s32 $0xA, s23  }
0x59: {  	[tilespmem:s4], [sflag:$0x1] =	stream.linear.gather [hbm4b:s24+s4], $0x50, $0x38;
	[tilespmem:$0x880] =	vst v63  }
0x5a: {  	p0 =	sne.s32 s23, $0x4D8;
	_ =	swait.ge [sflag:s13], $0x50  }
0x5b: {  	[sflag:s13] =	ssyncset.done $0x0  }
0x5c: {  	[sflag:s13] =	ssyncadd.s32 $0xFFFFFFB0  }
0x5d: {  	[spmem:s2] =	stream.indirect.scatter.add.f32 [tilespmem:s15], [sflag:$0x1], $0x1, s4, s14, $0xb8;
	[tilespmem:$0x880] =	vst v63  }
0x5e: {  	_ =	swait.ge [sflag:s13], $0x50  }
0x5f: {  	[sflag:s13] =	ssyncset.done $0x0  }
0x60: {  	s23 =	sadd.s32 s22, s10;
	s22 =	smov.u32 s25;
	[sflag:s13] =	ssyncadd.s32 $0xFFFFFFB0  }
0x61: {  	[tilespmem:s4], [sflag:$0x1] =	stream.linear.gather [hbm4b:s23+s4], $0x50, $0x38;
	[tilespmem:$0x880] =	vst v63  }
0x62: {  	_ =	swait.ge [sflag:s13], $0x50  }
.Ltmp0:
0x63: {  	[sflag:s13] =	ssyncset.done $0x0;
	(pc) =	sbr.rel @p0 .LBB2_2-.Ltmp0, $4  }
0x64: {  	[sflag:s13] =	ssyncadd.s32 $0xFFFFFFB0  }
0x65: {  	[spmem:s3] =	stream.indirect.scatter.add.f32 [tilespmem:s15], [sflag:$0x1], $0x1, s4, s14, $0xb8;
	[tilespmem:$0x880] =	vst v63  }
0x66: {  	_ =	swait.ge [sflag:s13], $0x50  }
0x67: {  	s23 =	smov.u32 s26;
	[sflag:s13] =	ssyncset.done $0x0  }
0x68: {  	s23 =	sadd.s32 s22, s11;
	[sflag:s13] =	ssyncadd.s32 $0xFFFFFFB0  }
0x69: {  	[tilespmem:s4], [sflag:$0x1] =	stream.linear.gather [hbm4b:s23+s4], $0x50, $0x38;
	[tilespmem:$0x880] =	vst v63  }
0x6a: {  	_ =	swait.ge [sflag:s13], $0x50  }
0x6b: {  	[sflag:s13] =	ssyncset.done $0x0  }
0x6c: {  	[sflag:s13] =	ssyncadd.s32 $0xFFFFFFB0  }
0x6d: {  	[spmem:s2] =	stream.indirect.scatter.add.f32 [tilespmem:s15], [sflag:$0x1], $0x1, s4, s14, $0xb8;
	[tilespmem:$0x880] =	vst v63  }
0x6e: {  	_ =	swait.ge [sflag:s13], $0x50  }
0x6f: {  	[sflag:s13] =	ssyncset.done $0x0  }
0x70: {  	s31 =	sadd.s32 s22, s10;
	[sflag:s13] =	ssyncadd.s32 $0xFFFFFFB0  }
0x71: {  	[tilespmem:s4], [sflag:$0x1] =	stream.linear.gather [hbm4b:s31+s4], $0x50, $0x38;
	[tilespmem:$0x880] =	vst v63  }
0x72: {  	_ =	swait.ge [sflag:s13], $0x50  }
0x73: {  	[sflag:s13] =	ssyncset.done $0x0  }
0x74: {  	[sflag:s13] =	ssyncadd.s32 $0xFFFFFFB0  }
0x75: {  	[spmem:s3] =	stream.indirect.scatter.add.f32 [tilespmem:s15], [sflag:$0x1], $0x1, s4, s14, $0xb8;
	[tilespmem:$0x880] =	vst v63  }
0x76: {  	_ =	swait.ge [sflag:s13], $0x50  }
0x77: {  	[sflag:s13] =	ssyncset.done $0x0  }
0x78: {  	[sflag:s13] =	ssyncadd.s32 $0xFFFFFFB0  }
0x79: {  	[bflag:$0x0] =	sbarrier.arrive $0xFFFF  }
0x7a: {  	[hbm:s7@s18], [sflag:s16] =	dma.strided [spmem:s17@s19], $0x50, s13, $0x10   }
0x7b: {  	s21 =	sadd.s32 $0x1, s21;
	_ =	swait.ge [sflag:s13], $0x50  }
0x7c: {  	p0 =	sne.s32 s21, s9;
	[sflag:s13] =	ssyncset.done $0x0  }
.Ltmp1:
0x7d: {  	[sflag:s13] =	ssyncadd.s32 $0xFFFFFFB0;
	(pc) =	sbr.rel @p0 .LBB2_1-.Ltmp1, $4  }
0x7e: {  	[hbm:s8@s18], [sflag:s16] =	dma.strided [spmem:s20@s19], $0x50, s13, $0x10   }
0x7f: {  	_ =	swait.ge [sflag:s13], $0x50  }
0x80: {  	[sflag:s13] =	ssyncset.done $0x0  }
0x81: {  	[sflag:s13] =	ssyncadd.s32 $0xFFFFFFB0  }
0x82: {  	_ =	sfence.sel $0x180000  }
0x83: {  	[bflag:$0x0] =	sbarrier.arrive $0xFFFF  }
0x84: {  	p0 =	sne.s32 s0, $0x0;
	_ =	strace $0x90000047  }
0x85: {  	s0 =	sadd.s32 @!p0 $0x100000, s1;
	[bflag:$0x2] =	sbarrier.arrive $0xFFFF  }
0x86: {  	[sflag:s0] =	ssyncadd.tile.s32 @!p0 $0x1;
	_ =	shalt  }
.Lfunc_end2:
_tile_overlayer_lowered:
.L_overlay_start_2:
0x87: {  	(tag) =	ssettag $0x2  }
0x88: {  	s0 =	rddreg [dreg:$0x0];
	s2 =	stileid.u32  }
0x89: {  	s1 =	rddreg [dreg:$0x1];
	p0 =	sne.s32 s2, $0x0  }
0x8a: {  	s3 =	rddreg [dreg:$0x2];
	[bflag:$0x3] =	sbarrier.arrive $0xFFFF;
	s2 =	simm.s32 @!p0 $0x1C01  }
0x8b: {  	[timem:s3], [sflag:s2] =	dma.local @!p0 [hbm:s0], s1  }
0x8c: {  	s0 =	simm.s32 @!p0 $0x1  }
0x8d: {  	_ =	swait.ge @!p0 [sflag:s0], s1  }
0x8e: {  	s1 =	ssub.s32 @!p0 $0x0, s1;
	[sflag:s0] =	ssyncset.done @!p0 $0x0  }
0x8f: {  	[sflag:s0] =	ssyncadd.s32 @!p0 s1  }
0x90: {  	[bflag:$0x3] =	sbarrier.arrive $0xFFFF  }
0x91: {  	_ =	shalt  }

</sc_bundles>
